<compile_context>
chip_gen: v7x
topology: tpu7x:2x2x1
jax: 0.10.2.dev20260603
libtpu: 0.0.44.dev20260713+nightly
codegen_flags: <defaults>
</compile_context>

<pallas_src>
import functools

import jax
import jax.numpy as jnp
from jax import lax
from jax.experimental import pallas as pl
from jax.experimental.pallas import tpu as pltpu
from jax.experimental.pallas import tpu_sc as plsc

EMB = 32
NW = 32
GRAN = 128
NBUF = 4
S = 50
B = 16384
NG = S * (B // GRAN)
G_PER_W = NG // NW
JJ = B // GRAN
N_SUPER = G_PER_W // NBUF


def _make_kernel():
    mesh = plsc.VectorSubcoreMesh(core_axis_name="c", subcore_axis_name="s")

    @functools.partial(
        pl.kernel,
        mesh=mesh,
        out_type=jax.ShapeDtypeStruct((S, EMB // 8, JJ, 8 * GRAN), jnp.float32),
        scratch_types=[
            pltpu.VMEM((G_PER_W, GRAN), jnp.int32),
            [pltpu.VMEM((GRAN, EMB), jnp.float32) for _ in range(NBUF)],
            [pltpu.VMEM((EMB // 8, 8 * GRAN), jnp.float32) for _ in range(2)],
            [pltpu.SemaphoreType.DMA for _ in range(NBUF)],
            [pltpu.SemaphoreType.DMA for _ in range(2)],
        ],
        compiler_params=pltpu.CompilerParams(
            use_tc_tiling_on_sc=False, needs_layout_passes=False
        ),
    )
    def k(x_hbm, table_hbm, z_hbm, idx_v, gbufs, zbufs, gsems, zsems):
        wid = lax.axis_index("s") * 2 + lax.axis_index("c")
        g0 = wid * G_PER_W
        pltpu.sync_copy(x_hbm.at[pl.ds(g0, G_PER_W)], idx_v)

        iota16 = lax.iota(jnp.int32, 16)
        cvecs = [cb * 16 + iota16 for cb in range(8)]

        def fire(b, t):
            pltpu.async_copy(
                table_hbm.at[idx_v.at[t]],
                gbufs[b],
                gsems[b],
            )

        for b in range(NBUF):
            fire(b, b)

        def body(u, carry):
            for b in range(NBUF):
                t = u * NBUF + b
                p = b % 2
                g = g0 + t
                s = g // JJ
                jj = lax.rem(g, JJ)
                pltpu.make_async_copy(
                    table_hbm.at[pl.ds(0, GRAN)],
                    gbufs[b],
                    gsems[b],
                ).wait()

                def zwait():
                    pltpu.make_async_copy(
                        zbufs[p], z_hbm.at[0, :, 0], zsems[p]
                    ).wait()

                if b < 2:

                    @pl.when(u >= 1)
                    def _():
                        zwait()

                else:
                    zwait()

                def transpose_k(kk, c):
                    for db in range(2):
                        dvec = db * 16 + ((iota16 + kk) & 15)
                        rowvec = lax.shift_right_logical(dvec, 3)
                        offpart = lax.shift_left(dvec & 7, 7)
                        for cb in range(8):
                            val = plsc.load_gather(
                                gbufs[b], [cvecs[cb], dvec]
                            )
                            plsc.store_scatter(
                                zbufs[p],
                                [rowvec, offpart + cvecs[cb]],
                                val,
                            )
                    return c

                lax.fori_loop(0, 16, transpose_k, 0)

                pltpu.async_copy(zbufs[p], z_hbm.at[s, :, jj], zsems[p])

                @pl.when(u < N_SUPER - 1)
                def _():
                    fire(b, t + NBUF)

            return carry

        lax.fori_loop(0, N_SUPER, body, 0)
        for p in range(2):
            pltpu.make_async_copy(zbufs[p], z_hbm.at[0, :, 0], zsems[p]).wait()

    return k


@jax.jit
def kernel(x, table):
    x4 = x.T.reshape(NG, GRAN).astype(jnp.int32)
    z = _make_kernel()(x4, table)
    return (
        z.reshape(S, EMB // 8, JJ, 8, GRAN)
        .transpose(2, 4, 0, 1, 3)
        .reshape(B, S, EMB)
    )

# --- scband reference (transcript-rebuilt; emitter-appended) ---
"""Pipeline reference for scband-token-embedding-module-12412455485607 (READ-ONLY COPY).

The authoritative reference and input builder live on the scoring server;
editing this copy changes nothing except your own understanding.
"""

import jax, jax.numpy as jnp
import numpy as np

VOCAB = 1000000
EMB = 32

def setup_inputs(seed: int = 0) -> dict:
    key = jax.random.key(seed)
    k1, k2 = jax.random.split(key)
    x = jax.random.randint(k1, (16384, 50), 0, VOCAB, dtype=jnp.int64 if jax.config.jax_enable_x64 else jnp.int32)
    table = jax.random.normal(k2, (VOCAB, EMB), dtype=jnp.float32)
    return {"x": x, "table": table}

def reference(x, table):
    # nn.Embedding forward: row gather from the embedding table
    return jnp.take(table, x, axis=0)

if __name__ == "__main__":
    import jax
    _d = setup_inputs()
    print(jax.jit(kernel)(*tuple(_d.values())))

</pallas_src>

<mosaic_0001>
#map = affine_map<(d0, d1) -> (0, 0)>
#map1 = affine_map<(d0, d1) -> (0, 0, 0, 0)>
module attributes {stable_mosaic.version = 14 : i64} {
  func.func @k(%arg0: i32, %arg1: i32, %arg2: memref<6400x128xi32, #tpu.memory_space<hbm>>, %arg3: memref<1000000x32xf32, #tpu.memory_space<hbm>>, %arg4: memref<50x4x128x1024xf32, #tpu.memory_space<hbm>>, %arg5: memref<200x128xi32, #tpu.memory_space<vmem>>, %arg6: memref<128x32xf32, #tpu.memory_space<vmem>>, %arg7: memref<128x32xf32, #tpu.memory_space<vmem>>, %arg8: memref<128x32xf32, #tpu.memory_space<vmem>>, %arg9: memref<128x32xf32, #tpu.memory_space<vmem>>, %arg10: memref<4x1024xf32, #tpu.memory_space<vmem>>, %arg11: memref<4x1024xf32, #tpu.memory_space<vmem>>, %arg12: memref<!tpu.dma_semaphore, #tpu.memory_space<semaphore_mem>>, %arg13: memref<!tpu.dma_semaphore, #tpu.memory_space<semaphore_mem>>, %arg14: memref<!tpu.dma_semaphore, #tpu.memory_space<semaphore_mem>>, %arg15: memref<!tpu.dma_semaphore, #tpu.memory_space<semaphore_mem>>, %arg16: memref<!tpu.dma_semaphore, #tpu.memory_space<semaphore_mem>>, %arg17: memref<!tpu.dma_semaphore, #tpu.memory_space<semaphore_mem>>) attributes {dimension_semantics = [#tpu.dimension_semantics<core_parallel>, #tpu.dimension_semantics<subcore_parallel>], iteration_bounds = array<i64: 2, 16>, scalar_prefetch = 0 : i64, scratch_operands = 13 : i64, tpu.core_type = #tpu.core_type<sc_vector_subcore>, window_params = [{transform_indices = #map}, {transform_indices = #map}, {transform_indices = #map1}]} {
    %mul3A = arith.constant 2 : i32
    %mul3A_0 = arith.muli %arg1, %mul3A : i32
    %add3A = arith.addi %mul3A_0, %arg0 : i32
    %mul3A_1 = arith.constant 200 : i32
    %mul3A_2 = arith.muli %add3A, %mul3A_1 : i32
    "tpu.region"() ({
      %run_scoped3A = tpu.sem_alloc : memref<!tpu.dma_semaphore, #tpu.memory_space<semaphore_mem>>
      %dma_start3A_78 = arith.constant 0 : i32
      %dma_start3A_79 = tpu.memref_slice %arg2[%mul3A_2, %dma_start3A_78] : memref<6400x128xi32, #tpu.memory_space<hbm>> -> memref<200x128xi32, #tpu.memory_space<hbm>>
      %dma_start3A_80 = arith.constant 0 : i32
      %dma_start3A_81 = tpu.memref_slice %arg2[%mul3A_2, %dma_start3A_80] : memref<6400x128xi32, #tpu.memory_space<hbm>> -> memref<200x128xi32, #tpu.memory_space<hbm>>
      tpu.enqueue_dma source(%dma_start3A_81 : memref<200x128xi32, #tpu.memory_space<hbm>>) target(%arg5 : memref<200x128xi32, #tpu.memory_space<vmem>>) target_semaphore(%run_scoped3A : memref<!tpu.dma_semaphore, #tpu.memory_space<semaphore_mem>>)
      %dma_wait3A_82 = arith.constant 0 : i32
      %dma_wait3A_83 = tpu.memref_slice %arg2[%mul3A_2, %dma_wait3A_82] : memref<6400x128xi32, #tpu.memory_space<hbm>> -> memref<200x128xi32, #tpu.memory_space<hbm>>
      %dma_wait3A_84 = arith.constant 0 : i32
      %dma_wait3A_85 = tpu.memref_slice %arg2[%mul3A_2, %dma_wait3A_84] : memref<6400x128xi32, #tpu.memory_space<hbm>> -> memref<200x128xi32, #tpu.memory_space<hbm>>
      tpu.wait_dma2 semaphore(%run_scoped3A : memref<!tpu.dma_semaphore, #tpu.memory_space<semaphore_mem>>) src(%dma_wait3A_85 : memref<200x128xi32, #tpu.memory_space<hbm>>) dst(%arg5 : memref<200x128xi32, #tpu.memory_space<vmem>>)
      tpu.yield
    }) : () -> ()
    %iota3A = tpu.iota {dimensions = array<i32: 0>} : vector<16xi32>
    %add3A_3 = arith.constant 0 : i32
    %add3A_4 = vector.broadcast %add3A_3 : i32 to vector<16xi32>
    %add3A_5 = arith.addi %add3A_4, %iota3A : vector<16xi32>
    %add3A_6 = arith.constant 16 : i32
    %add3A_7 = vector.broadcast %add3A_6 : i32 to vector<16xi32>
    %add3A_8 = arith.addi %add3A_7, %iota3A : vector<16xi32>
    %add3A_9 = arith.constant 32 : i32
    %add3A_10 = vector.broadcast %add3A_9 : i32 to vector<16xi32>
    %add3A_11 = arith.addi %add3A_10, %iota3A : vector<16xi32>
    %add3A_12 = arith.constant 48 : i32
    %add3A_13 = vector.broadcast %add3A_12 : i32 to vector<16xi32>
    %add3A_14 = arith.addi %add3A_13, %iota3A : vector<16xi32>
    %add3A_15 = arith.constant 64 : i32
    %add3A_16 = vector.broadcast %add3A_15 : i32 to vector<16xi32>
    %add3A_17 = arith.addi %add3A_16, %iota3A : vector<16xi32>
    %add3A_18 = arith.constant 80 : i32
    %add3A_19 = vector.broadcast %add3A_18 : i32 to vector<16xi32>
    %add3A_20 = arith.addi %add3A_19, %iota3A : vector<16xi32>
    %add3A_21 = arith.constant 96 : i32
    %add3A_22 = vector.broadcast %add3A_21 : i32 to vector<16xi32>
    %add3A_23 = arith.addi %add3A_22, %iota3A : vector<16xi32>
    %add3A_24 = arith.constant 112 : i32
    %add3A_25 = vector.broadcast %add3A_24 : i32 to vector<16xi32>
    %add3A_26 = arith.addi %add3A_25, %iota3A : vector<16xi32>
    %dma_start3A = arith.constant 0 : i32
    %dma_start3A_27 = arith.constant 0 : i32
    %dma_start3A_28 = tpu.memref_slice %arg5[%dma_start3A, %dma_start3A_27] : memref<200x128xi32, #tpu.memory_space<vmem>> -> memref<1x128xi32, #tpu.memory_space<vmem>>
    %dma_start3A_29 = tpu.memref_squeeze %dma_start3A_28 : memref<1x128xi32, #tpu.memory_space<vmem>> -> memref<128xi32, #tpu.memory_space<vmem>>
    %dma_start3A_30 = arith.constant 0 : i32
    %dma_start3A_31 = arith.constant 0 : i32
    %dma_start3A_32 = tpu.memref_slice %arg3[%dma_start3A_30, %dma_start3A_31] : memref<1000000x32xf32, #tpu.memory_space<hbm>> -> memref<1000000x32xf32, #tpu.memory_space<hbm>>
    tpu.enqueue_indirect_dma source(%dma_start3A_32 : memref<1000000x32xf32, #tpu.memory_space<hbm>>) target(%arg6 : memref<128x32xf32, #tpu.memory_space<vmem>>) offsets(%dma_start3A_29 : memref<128xi32, #tpu.memory_space<vmem>>) semaphore(%arg12 : memref<!tpu.dma_semaphore, #tpu.memory_space<semaphore_mem>>)
    %dma_start3A_33 = arith.constant 1 : i32
    %dma_start3A_34 = arith.constant 0 : i32
    %dma_start3A_35 = tpu.memref_slice %arg5[%dma_start3A_33, %dma_start3A_34] : memref<200x128xi32, #tpu.memory_space<vmem>> -> memref<1x128xi32, #tpu.memory_space<vmem>>
    %dma_start3A_36 = tpu.memref_squeeze %dma_start3A_35 : memref<1x128xi32, #tpu.memory_space<vmem>> -> memref<128xi32, #tpu.memory_space<vmem>>
    %dma_start3A_37 = arith.constant 0 : i32
    %dma_start3A_38 = arith.constant 0 : i32
    %dma_start3A_39 = tpu.memref_slice %arg3[%dma_start3A_37, %dma_start3A_38] : memref<1000000x32xf32, #tpu.memory_space<hbm>> -> memref<1000000x32xf32, #tpu.memory_space<hbm>>
    tpu.enqueue_indirect_dma source(%dma_start3A_39 : memref<1000000x32xf32, #tpu.memory_space<hbm>>) target(%arg7 : memref<128x32xf32, #tpu.memory_space<vmem>>) offsets(%dma_start3A_36 : memref<128xi32, #tpu.memory_space<vmem>>) semaphore(%arg13 : memref<!tpu.dma_semaphore, #tpu.memory_space<semaphore_mem>>)
    %dma_start3A_40 = arith.constant 2 : i32
    %dma_start3A_41 = arith.constant 0 : i32
    %dma_start3A_42 = tpu.memref_slice %arg5[%dma_start3A_40, %dma_start3A_41] : memref<200x128xi32, #tpu.memory_space<vmem>> -> memref<1x128xi32, #tpu.memory_space<vmem>>
    %dma_start3A_43 = tpu.memref_squeeze %dma_start3A_42 : memref<1x128xi32, #tpu.memory_space<vmem>> -> memref<128xi32, #tpu.memory_space<vmem>>
    %dma_start3A_44 = arith.constant 0 : i32
    %dma_start3A_45 = arith.constant 0 : i32
    %dma_start3A_46 = tpu.memref_slice %arg3[%dma_start3A_44, %dma_start3A_45] : memref<1000000x32xf32, #tpu.memory_space<hbm>> -> memref<1000000x32xf32, #tpu.memory_space<hbm>>
    tpu.enqueue_indirect_dma source(%dma_start3A_46 : memref<1000000x32xf32, #tpu.memory_space<hbm>>) target(%arg8 : memref<128x32xf32, #tpu.memory_space<vmem>>) offsets(%dma_start3A_43 : memref<128xi32, #tpu.memory_space<vmem>>) semaphore(%arg14 : memref<!tpu.dma_semaphore, #tpu.memory_space<semaphore_mem>>)
    %dma_start3A_47 = arith.constant 3 : i32
    %dma_start3A_48 = arith.constant 0 : i32
    %dma_start3A_49 = tpu.memref_slice %arg5[%dma_start3A_47, %dma_start3A_48] : memref<200x128xi32, #tpu.memory_space<vmem>> -> memref<1x128xi32, #tpu.memory_space<vmem>>
    %dma_start3A_50 = tpu.memref_squeeze %dma_start3A_49 : memref<1x128xi32, #tpu.memory_space<vmem>> -> memref<128xi32, #tpu.memory_space<vmem>>
    %dma_start3A_51 = arith.constant 0 : i32
    %dma_start3A_52 = arith.constant 0 : i32
    %dma_start3A_53 = tpu.memref_slice %arg3[%dma_start3A_51, %dma_start3A_52] : memref<1000000x32xf32, #tpu.memory_space<hbm>> -> memref<1000000x32xf32, #tpu.memory_space<hbm>>
    tpu.enqueue_indirect_dma source(%dma_start3A_53 : memref<1000000x32xf32, #tpu.memory_space<hbm>>) target(%arg9 : memref<128x32xf32, #tpu.memory_space<vmem>>) offsets(%dma_start3A_50 : memref<128xi32, #tpu.memory_space<vmem>>) semaphore(%arg15 : memref<!tpu.dma_semaphore, #tpu.memory_space<semaphore_mem>>)
    %scan3A = arith.constant 0 : i32
    %scan3A_54 = arith.constant 0 : i32
    %scan3A_55 = arith.constant 50 : i32
    %scan3A_56 = arith.addi %scan3A_54, %scan3A_55 : i32
    %scan3A_57 = arith.constant 1 : i32
    scf.for %scan3A_78 = %scan3A_54 to %scan3A_56 step %scan3A_57  : i32 {
      %mul3A_79 = arith.constant 4 : i32
      %mul3A_80 = arith.muli %scan3A_78, %mul3A_79 : i32
      %add3A_81 = arith.constant 0 : i32
      %add3A_82 = arith.addi %mul3A_80, %add3A_81 : i32
      %add3A_83 = arith.addi %mul3A_2, %add3A_82 : i32
      %jit3A = arith.constant 128 : i32
      %div3A = arith.divsi %add3A_83, %jit3A : i32
      %sign3A = arith.constant 0 : i32
      %sign3A_84 = arith.cmpi sgt, %add3A_83, %sign3A : i32
      %sign3A_85 = arith.extui %sign3A_84 : i1 to i32
      %sign3A_86 = arith.constant 0 : i32
      %sign3A_87 = arith.cmpi slt, %add3A_83, %sign3A_86 : i32
      %sign3A_88 = arith.extui %sign3A_87 : i1 to i32
      %sign3A_89 = arith.subi %sign3A_85, %sign3A_88 : i32
      %sign3A_90 = arith.constant 0 : i32
      %sign3A_91 = arith.cmpi sgt, %jit3A, %sign3A_90 : i32
      %sign3A_92 = arith.extui %sign3A_91 : i1 to i32
      %sign3A_93 = arith.constant 0 : i32
      %sign3A_94 = arith.cmpi slt, %jit3A, %sign3A_93 : i32
      %sign3A_95 = arith.extui %sign3A_94 : i1 to i32
      %sign3A_96 = arith.subi %sign3A_92, %sign3A_95 : i32
      %ne3A = arith.cmpi ne, %sign3A_89, %sign3A_96 : i32
      %rem3A = arith.remsi %add3A_83, %jit3A : i32
      %ne3A_97 = arith.constant 0 : i32
      %ne3A_98 = arith.cmpi ne, %rem3A, %ne3A_97 : i32
      %and3A = arith.andi %ne3A, %ne3A_98 : i1
      %sub3A = arith.constant 1 : i32
      %sub3A_99 = arith.subi %div3A, %sub3A : i32
      %select_n3A = arith.select %and3A, %sub3A_99, %div3A : i32
      %rem3A_100 = arith.constant 128 : i32
      %rem3A_101 = arith.remsi %add3A_83, %rem3A_100 : i32
      %dma_wait3A_102 = arith.constant 0 : i32
      %dma_wait3A_103 = arith.constant 0 : i32
      %dma_wait3A_104 = tpu.memref_slice %arg3[%dma_wait3A_102, %dma_wait3A_103] : memref<1000000x32xf32, #tpu.memory_space<hbm>> -> memref<128x32xf32, #tpu.memory_space<hbm>>
      %dma_wait3A_105 = arith.constant 0 : i32
      %dma_wait3A_106 = arith.constant 0 : i32
      %dma_wait3A_107 = tpu.memref_slice %arg3[%dma_wait3A_105, %dma_wait3A_106] : memref<1000000x32xf32, #tpu.memory_space<hbm>> -> memref<128x32xf32, #tpu.memory_space<hbm>>
      tpu.wait_dma2 semaphore(%arg12 : memref<!tpu.dma_semaphore, #tpu.memory_space<semaphore_mem>>) src(%dma_wait3A_107 : memref<128x32xf32, #tpu.memory_space<hbm>>) dst(%arg6 : memref<128x32xf32, #tpu.memory_space<vmem>>)
      %ge3A = arith.constant 1 : i32
      %ge3A_108 = arith.cmpi sge, %scan3A_78, %ge3A : i32
      %convert_element_type3A = arith.extui %ge3A_108 : i1 to i32
      %cond3A = arith.constant 0 : i32
      %cond3A_109 = arith.cmpi ne, %convert_element_type3A, %cond3A : i32
      scf.if %cond3A_109 {
        %dma_wait3A_321 = arith.constant 0 : i32
        %dma_wait3A_322 = arith.constant 0 : i32
        %dma_wait3A_323 = arith.constant 0 : i32
        %dma_wait3A_324 = arith.constant 0 : i32
        %dma_wait3A_325 = tpu.memref_slice %arg4[%dma_wait3A_321, %dma_wait3A_323, %dma_wait3A_322, %dma_wait3A_324] : memref<50x4x128x1024xf32, #tpu.memory_space<hbm>> -> memref<1x4x1x1024xf32, #tpu.memory_space<hbm>>
        %dma_wait3A_326 = tpu.memref_squeeze %dma_wait3A_325 : memref<1x4x1x1024xf32, #tpu.memory_space<hbm>> -> memref<4x1024xf32, #tpu.memory_space<hbm>>
        %dma_wait3A_327 = arith.constant 0 : i32
        %dma_wait3A_328 = arith.constant 0 : i32
        %dma_wait3A_329 = tpu.memref_slice %arg4[%dma_wait3A_321, %dma_wait3A_327, %dma_wait3A_322, %dma_wait3A_328] : memref<50x4x128x1024xf32, #tpu.memory_space<hbm>> -> memref<1x4x1x1024xf32, #tpu.memory_space<hbm>>
        %dma_wait3A_330 = tpu.memref_squeeze %dma_wait3A_329 : memref<1x4x1x1024xf32, #tpu.memory_space<hbm>> -> memref<4x1024xf32, #tpu.memory_space<hbm>>
        tpu.wait_dma2 semaphore(%arg16 : memref<!tpu.dma_semaphore, #tpu.memory_space<semaphore_mem>>) src(%arg10 : memref<4x1024xf32, #tpu.memory_space<vmem>>) dst(%dma_wait3A_330 : memref<4x1024xf32, #tpu.memory_space<hbm>>)
      } else {
      }
      %scan3A_110 = arith.constant 0 : i32
      %scan3A_111 = arith.constant 0 : i32
      %scan3A_112 = arith.constant 16 : i32
      %scan3A_113 = arith.addi %scan3A_111, %scan3A_112 : i32
      %scan3A_114 = arith.constant 1 : i32
      scf.for %scan3A_321 = %scan3A_111 to %scan3A_113 step %scan3A_114  : i32 {
        %add3A_322 = vector.broadcast %scan3A_321 : i32 to vector<16xi32>
        %add3A_323 = arith.addi %iota3A, %add3A_322 : vector<16xi32>
        %and3A_324 = arith.constant 15 : i32
        %and3A_325 = vector.broadcast %and3A_324 : i32 to vector<16xi32>
        %and3A_326 = arith.andi %add3A_323, %and3A_325 : vector<16xi32>
        %add3A_327 = arith.constant 0 : i32
        %add3A_328 = vector.broadcast %add3A_327 : i32 to vector<16xi32>
        %add3A_329 = arith.addi %add3A_328, %and3A_326 : vector<16xi32>
        %shift_right_logical3A = arith.constant 3 : i32
        %shift_right_logical3A_330 = vector.broadcast %shift_right_logical3A : i32 to vector<16xi32>
        %shift_right_logical3A_331 = arith.shrui %add3A_329, %shift_right_logical3A_330 : vector<16xi32>
        %and3A_332 = arith.constant 7 : i32
        %and3A_333 = vector.broadcast %and3A_332 : i32 to vector<16xi32>
        %and3A_334 = arith.andi %add3A_329, %and3A_333 : vector<16xi32>
        %shift_left3A = arith.constant 7 : i32
        %shift_left3A_335 = vector.broadcast %shift_left3A : i32 to vector<16xi32>
        %shift_left3A_336 = arith.shli %and3A_334, %shift_left3A_335 : vector<16xi32>
        %gather3A = tpu.vector_load_idx %arg6[%add3A_5, %add3A_329] : memref<128x32xf32, #tpu.memory_space<vmem>>[vector<16xi32>, vector<16xi32>], vector<16xf32>,
        %add3A_337 = arith.addi %shift_left3A_336, %add3A_5 : vector<16xi32>
        tpu.vector_store_idx %arg10[%shift_right_logical3A_331, %add3A_337], %gather3A : memref<4x1024xf32, #tpu.memory_space<vmem>>[vector<16xi32>, vector<16xi32>], vector<16xf32>,
        %gather3A_338 = tpu.vector_load_idx %arg6[%add3A_8, %add3A_329] : memref<128x32xf32, #tpu.memory_space<vmem>>[vector<16xi32>, vector<16xi32>], vector<16xf32>,
        %add3A_339 = arith.addi %shift_left3A_336, %add3A_8 : vector<16xi32>
        tpu.vector_store_idx %arg10[%shift_right_logical3A_331, %add3A_339], %gather3A_338 : memref<4x1024xf32, #tpu.memory_space<vmem>>[vector<16xi32>, vector<16xi32>], vector<16xf32>,
        %gather3A_340 = tpu.vector_load_idx %arg6[%add3A_11, %add3A_329] : memref<128x32xf32, #tpu.memory_space<vmem>>[vector<16xi32>, vector<16xi32>], vector<16xf32>,
        %add3A_341 = arith.addi %shift_left3A_336, %add3A_11 : vector<16xi32>
        tpu.vector_store_idx %arg10[%shift_right_logical3A_331, %add3A_341], %gather3A_340 : memref<4x1024xf32, #tpu.memory_space<vmem>>[vector<16xi32>, vector<16xi32>], vector<16xf32>,
        %gather3A_342 = tpu.vector_load_idx %arg6[%add3A_14, %add3A_329] : memref<128x32xf32, #tpu.memory_space<vmem>>[vector<16xi32>, vector<16xi32>], vector<16xf32>,
        %add3A_343 = arith.addi %shift_left3A_336, %add3A_14 : vector<16xi32>
        tpu.vector_store_idx %arg10[%shift_right_logical3A_331, %add3A_343], %gather3A_342 : memref<4x1024xf32, #tpu.memory_space<vmem>>[vector<16xi32>, vector<16xi32>], vector<16xf32>,
        %gather3A_344 = tpu.vector_load_idx %arg6[%add3A_17, %add3A_329] : memref<128x32xf32, #tpu.memory_space<vmem>>[vector<16xi32>, vector<16xi32>], vector<16xf32>,
        %add3A_345 = arith.addi %shift_left3A_336, %add3A_17 : vector<16xi32>
        tpu.vector_store_idx %arg10[%shift_right_logical3A_331, %add3A_345], %gather3A_344 : memref<4x1024xf32, #tpu.memory_space<vmem>>[vector<16xi32>, vector<16xi32>], vector<16xf32>,
        %gather3A_346 = tpu.vector_load_idx %arg6[%add3A_20, %add3A_329] : memref<128x32xf32, #tpu.memory_space<vmem>>[vector<16xi32>, vector<16xi32>], vector<16xf32>,
        %add3A_347 = arith.addi %shift_left3A_336, %add3A_20 : vector<16xi32>
        tpu.vector_store_idx %arg10[%shift_right_logical3A_331, %add3A_347], %gather3A_346 : memref<4x1024xf32, #tpu.memory_space<vmem>>[vector<16xi32>, vector<16xi32>], vector<16xf32>,
        %gather3A_348 = tpu.vector_load_idx %arg6[%add3A_23, %add3A_329] : memref<128x32xf32, #tpu.memory_space<vmem>>[vector<16xi32>, vector<16xi32>], vector<16xf32>,
        %add3A_349 = arith.addi %shift_left3A_336, %add3A_23 : vector<16xi32>
        tpu.vector_store_idx %arg10[%shift_right_logical3A_331, %add3A_349], %gather3A_348 : memref<4x1024xf32, #tpu.memory_space<vmem>>[vector<16xi32>, vector<16xi32>], vector<16xf32>,
        %gather3A_350 = tpu.vector_load_idx %arg6[%add3A_26, %add3A_329] : memref<128x32xf32, #tpu.memory_space<vmem>>[vector<16xi32>, vector<16xi32>], vector<16xf32>,
        %add3A_351 = arith.addi %shift_left3A_336, %add3A_26 : vector<16xi32>
        tpu.vector_store_idx %arg10[%shift_right_logical3A_331, %add3A_351], %gather3A_350 : memref<4x1024xf32, #tpu.memory_space<vmem>>[vector<16xi32>, vector<16xi32>], vector<16xf32>,
        %add3A_352 = vector.broadcast %scan3A_321 : i32 to vector<16xi32>
        %add3A_353 = arith.addi %iota3A, %add3A_352 : vector<16xi32>
        %and3A_354 = arith.constant 15 : i32
        %and3A_355 = vector.broadcast %and3A_354 : i32 to vector<16xi32>
        %and3A_356 = arith.andi %add3A_353, %and3A_355 : vector<16xi32>
        %add3A_357 = arith.constant 16 : i32
        %add3A_358 = vector.broadcast %add3A_357 : i32 to vector<16xi32>
        %add3A_359 = arith.addi %add3A_358, %and3A_356 : vector<16xi32>
        %shift_right_logical3A_360 = arith.constant 3 : i32
        %shift_right_logical3A_361 = vector.broadcast %shift_right_logical3A_360 : i32 to vector<16xi32>
        %shift_right_logical3A_362 = arith.shrui %add3A_359, %shift_right_logical3A_361 : vector<16xi32>
        %and3A_363 = arith.constant 7 : i32
        %and3A_364 = vector.broadcast %and3A_363 : i32 to vector<16xi32>
        %and3A_365 = arith.andi %add3A_359, %and3A_364 : vector<16xi32>
        %shift_left3A_366 = arith.constant 7 : i32
        %shift_left3A_367 = vector.broadcast %shift_left3A_366 : i32 to vector<16xi32>
        %shift_left3A_368 = arith.shli %and3A_365, %shift_left3A_367 : vector<16xi32>
        %gather3A_369 = tpu.vector_load_idx %arg6[%add3A_5, %add3A_359] : memref<128x32xf32, #tpu.memory_space<vmem>>[vector<16xi32>, vector<16xi32>], vector<16xf32>,
        %add3A_370 = arith.addi %shift_left3A_368, %add3A_5 : vector<16xi32>
        tpu.vector_store_idx %arg10[%shift_right_logical3A_362, %add3A_370], %gather3A_369 : memref<4x1024xf32, #tpu.memory_space<vmem>>[vector<16xi32>, vector<16xi32>], vector<16xf32>,
        %gather3A_371 = tpu.vector_load_idx %arg6[%add3A_8, %add3A_359] : memref<128x32xf32, #tpu.memory_space<vmem>>[vector<16xi32>, vector<16xi32>], vector<16xf32>,
        %add3A_372 = arith.addi %shift_left3A_368, %add3A_8 : vector<16xi32>
        tpu.vector_store_idx %arg10[%shift_right_logical3A_362, %add3A_372], %gather3A_371 : memref<4x1024xf32, #tpu.memory_space<vmem>>[vector<16xi32>, vector<16xi32>], vector<16xf32>,
        %gather3A_373 = tpu.vector_load_idx %arg6[%add3A_11, %add3A_359] : memref<128x32xf32, #tpu.memory_space<vmem>>[vector<16xi32>, vector<16xi32>], vector<16xf32>,
        %add3A_374 = arith.addi %shift_left3A_368, %add3A_11 : vector<16xi32>
        tpu.vector_store_idx %arg10[%shift_right_logical3A_362, %add3A_374], %gather3A_373 : memref<4x1024xf32, #tpu.memory_space<vmem>>[vector<16xi32>, vector<16xi32>], vector<16xf32>,
        %gather3A_375 = tpu.vector_load_idx %arg6[%add3A_14, %add3A_359] : memref<128x32xf32, #tpu.memory_space<vmem>>[vector<16xi32>, vector<16xi32>], vector<16xf32>,
        %add3A_376 = arith.addi %shift_left3A_368, %add3A_14 : vector<16xi32>
        tpu.vector_store_idx %arg10[%shift_right_logical3A_362, %add3A_376], %gather3A_375 : memref<4x1024xf32, #tpu.memory_space<vmem>>[vector<16xi32>, vector<16xi32>], vector<16xf32>,
        %gather3A_377 = tpu.vector_load_idx %arg6[%add3A_17, %add3A_359] : memref<128x32xf32, #tpu.memory_space<vmem>>[vector<16xi32>, vector<16xi32>], vector<16xf32>,
        %add3A_378 = arith.addi %shift_left3A_368, %add3A_17 : vector<16xi32>
        tpu.vector_store_idx %arg10[%shift_right_logical3A_362, %add3A_378], %gather3A_377 : memref<4x1024xf32, #tpu.memory_space<vmem>>[vector<16xi32>, vector<16xi32>], vector<16xf32>,
        %gather3A_379 = tpu.vector_load_idx %arg6[%add3A_20, %add3A_359] : memref<128x32xf32, #tpu.memory_space<vmem>>[vector<16xi32>, vector<16xi32>], vector<16xf32>,
        %add3A_380 = arith.addi %shift_left3A_368, %add3A_20 : vector<16xi32>
        tpu.vector_store_idx %arg10[%shift_right_logical3A_362, %add3A_380], %gather3A_379 : memref<4x1024xf32, #tpu.memory_space<vmem>>[vector<16xi32>, vector<16xi32>], vector<16xf32>,
        %gather3A_381 = tpu.vector_load_idx %arg6[%add3A_23, %add3A_359] : memref<128x32xf32, #tpu.memory_space<vmem>>[vector<16xi32>, vector<16xi32>], vector<16xf32>,
        %add3A_382 = arith.addi %shift_left3A_368, %add3A_23 : vector<16xi32>
        tpu.vector_store_idx %arg10[%shift_right_logical3A_362, %add3A_382], %gather3A_381 : memref<4x1024xf32, #tpu.memory_space<vmem>>[vector<16xi32>, vector<16xi32>], vector<16xf32>,
        %gather3A_383 = tpu.vector_load_idx %arg6[%add3A_26, %add3A_359] : memref<128x32xf32, #tpu.memory_space<vmem>>[vector<16xi32>, vector<16xi32>], vector<16xf32>,
        %add3A_384 = arith.addi %shift_left3A_368, %add3A_26 : vector<16xi32>
        tpu.vector_store_idx %arg10[%shift_right_logical3A_362, %add3A_384], %gather3A_383 : memref<4x1024xf32, #tpu.memory_space<vmem>>[vector<16xi32>, vector<16xi32>], vector<16xf32>,
      }
      %scan3A_115 = arith.constant 16 : i32
      %dma_start3A_116 = arith.constant 0 : i32
      %dma_start3A_117 = arith.constant 0 : i32
      %dma_start3A_118 = tpu.memref_slice %arg4[%select_n3A, %dma_start3A_116, %rem3A_101, %dma_start3A_117] : memref<50x4x128x1024xf32, #tpu.memory_space<hbm>> -> memref<1x4x1x1024xf32, #tpu.memory_space<hbm>>
      %dma_start3A_119 = tpu.memref_squeeze %dma_start3A_118 : memref<1x4x1x1024xf32, #tpu.memory_space<hbm>> -> memref<4x1024xf32, #tpu.memory_space<hbm>>
      %dma_start3A_120 = arith.constant 0 : i32
      %dma_start3A_121 = arith.constant 0 : i32
      %dma_start3A_122 = tpu.memref_slice %arg4[%select_n3A, %dma_start3A_120, %rem3A_101, %dma_start3A_121] : memref<50x4x128x1024xf32, #tpu.memory_space<hbm>> -> memref<1x4x1x1024xf32, #tpu.memory_space<hbm>>
      %dma_start3A_123 = tpu.memref_squeeze %dma_start3A_122 : memref<1x4x1x1024xf32, #tpu.memory_space<hbm>> -> memref<4x1024xf32, #tpu.memory_space<hbm>>
      tpu.enqueue_dma source(%arg10 : memref<4x1024xf32, #tpu.memory_space<vmem>>) target(%dma_start3A_123 : memref<4x1024xf32, #tpu.memory_space<hbm>>) target_semaphore(%arg16 : memref<!tpu.dma_semaphore, #tpu.memory_space<semaphore_mem>>)
      %lt3A = arith.constant 49 : i32
      %lt3A_124 = arith.cmpi slt, %scan3A_78, %lt3A : i32
      %convert_element_type3A_125 = arith.extui %lt3A_124 : i1 to i32
      %cond3A_126 = arith.constant 0 : i32
      %cond3A_127 = arith.cmpi ne, %convert_element_type3A_125, %cond3A_126 : i32
      scf.if %cond3A_127 {
        %add3A_321 = arith.constant 4 : i32
        %add3A_322 = arith.addi %add3A_82, %add3A_321 : i32
        %dma_start3A_323 = arith.constant 0 : i32
        %dma_start3A_324 = tpu.memref_slice %arg5[%add3A_322, %dma_start3A_323] : memref<200x128xi32, #tpu.memory_space<vmem>> -> memref<1x128xi32, #tpu.memory_space<vmem>>
        %dma_start3A_325 = tpu.memref_squeeze %dma_start3A_324 : memref<1x128xi32, #tpu.memory_space<vmem>> -> memref<128xi32, #tpu.memory_space<vmem>>
        %dma_start3A_326 = arith.constant 0 : i32
        %dma_start3A_327 = arith.constant 0 : i32
        %dma_start3A_328 = tpu.memref_slice %arg3[%dma_start3A_326, %dma_start3A_327] : memref<1000000x32xf32, #tpu.memory_space<hbm>> -> memref<1000000x32xf32, #tpu.memory_space<hbm>>
        tpu.enqueue_indirect_dma source(%dma_start3A_328 : memref<1000000x32xf32, #tpu.memory_space<hbm>>) target(%arg6 : memref<128x32xf32, #tpu.memory_space<vmem>>) offsets(%dma_start3A_325 : memref<128xi32, #tpu.memory_space<vmem>>) semaphore(%arg12 : memref<!tpu.dma_semaphore, #tpu.memory_space<semaphore_mem>>)
      } else {
      }
      %mul3A_128 = arith.constant 4 : i32
      %mul3A_129 = arith.muli %scan3A_78, %mul3A_128 : i32
      %add3A_130 = arith.constant 1 : i32
      %add3A_131 = arith.addi %mul3A_129, %add3A_130 : i32
      %add3A_132 = arith.addi %mul3A_2, %add3A_131 : i32
      %jit3A_133 = arith.constant 128 : i32
      %div3A_134 = arith.divsi %add3A_132, %jit3A_133 : i32
      %sign3A_135 = arith.constant 0 : i32
      %sign3A_136 = arith.cmpi sgt, %add3A_132, %sign3A_135 : i32
      %sign3A_137 = arith.extui %sign3A_136 : i1 to i32
      %sign3A_138 = arith.constant 0 : i32
      %sign3A_139 = arith.cmpi slt, %add3A_132, %sign3A_138 : i32
      %sign3A_140 = arith.extui %sign3A_139 : i1 to i32
      %sign3A_141 = arith.subi %sign3A_137, %sign3A_140 : i32
      %sign3A_142 = arith.constant 0 : i32
      %sign3A_143 = arith.cmpi sgt, %jit3A_133, %sign3A_142 : i32
      %sign3A_144 = arith.extui %sign3A_143 : i1 to i32
      %sign3A_145 = arith.constant 0 : i32
      %sign3A_146 = arith.cmpi slt, %jit3A_133, %sign3A_145 : i32
      %sign3A_147 = arith.extui %sign3A_146 : i1 to i32
      %sign3A_148 = arith.subi %sign3A_144, %sign3A_147 : i32
      %ne3A_149 = arith.cmpi ne, %sign3A_141, %sign3A_148 : i32
      %rem3A_150 = arith.remsi %add3A_132, %jit3A_133 : i32
      %ne3A_151 = arith.constant 0 : i32
      %ne3A_152 = arith.cmpi ne, %rem3A_150, %ne3A_151 : i32
      %and3A_153 = arith.andi %ne3A_149, %ne3A_152 : i1
      %sub3A_154 = arith.constant 1 : i32
      %sub3A_155 = arith.subi %div3A_134, %sub3A_154 : i32
      %select_n3A_156 = arith.select %and3A_153, %sub3A_155, %div3A_134 : i32
      %rem3A_157 = arith.constant 128 : i32
      %rem3A_158 = arith.remsi %add3A_132, %rem3A_157 : i32
      %dma_wait3A_159 = arith.constant 0 : i32
      %dma_wait3A_160 = arith.constant 0 : i32
      %dma_wait3A_161 = tpu.memref_slice %arg3[%dma_wait3A_159, %dma_wait3A_160] : memref<1000000x32xf32, #tpu.memory_space<hbm>> -> memref<128x32xf32, #tpu.memory_space<hbm>>
      %dma_wait3A_162 = arith.constant 0 : i32
      %dma_wait3A_163 = arith.constant 0 : i32
      %dma_wait3A_164 = tpu.memref_slice %arg3[%dma_wait3A_162, %dma_wait3A_163] : memref<1000000x32xf32, #tpu.memory_space<hbm>> -> memref<128x32xf32, #tpu.memory_space<hbm>>
      tpu.wait_dma2 semaphore(%arg13 : memref<!tpu.dma_semaphore, #tpu.memory_space<semaphore_mem>>) src(%dma_wait3A_164 : memref<128x32xf32, #tpu.memory_space<hbm>>) dst(%arg7 : memref<128x32xf32, #tpu.memory_space<vmem>>)
      %ge3A_165 = arith.constant 1 : i32
      %ge3A_166 = arith.cmpi sge, %scan3A_78, %ge3A_165 : i32
      %convert_element_type3A_167 = arith.extui %ge3A_166 : i1 to i32
      %cond3A_168 = arith.constant 0 : i32
      %cond3A_169 = arith.cmpi ne, %convert_element_type3A_167, %cond3A_168 : i32
      scf.if %cond3A_169 {
        %dma_wait3A_321 = arith.constant 0 : i32
        %dma_wait3A_322 = arith.constant 0 : i32
        %dma_wait3A_323 = arith.constant 0 : i32
        %dma_wait3A_324 = arith.constant 0 : i32
        %dma_wait3A_325 = tpu.memref_slice %arg4[%dma_wait3A_321, %dma_wait3A_323, %dma_wait3A_322, %dma_wait3A_324] : memref<50x4x128x1024xf32, #tpu.memory_space<hbm>> -> memref<1x4x1x1024xf32, #tpu.memory_space<hbm>>
        %dma_wait3A_326 = tpu.memref_squeeze %dma_wait3A_325 : memref<1x4x1x1024xf32, #tpu.memory_space<hbm>> -> memref<4x1024xf32, #tpu.memory_space<hbm>>
        %dma_wait3A_327 = arith.constant 0 : i32
        %dma_wait3A_328 = arith.constant 0 : i32
        %dma_wait3A_329 = tpu.memref_slice %arg4[%dma_wait3A_321, %dma_wait3A_327, %dma_wait3A_322, %dma_wait3A_328] : memref<50x4x128x1024xf32, #tpu.memory_space<hbm>> -> memref<1x4x1x1024xf32, #tpu.memory_space<hbm>>
        %dma_wait3A_330 = tpu.memref_squeeze %dma_wait3A_329 : memref<1x4x1x1024xf32, #tpu.memory_space<hbm>> -> memref<4x1024xf32, #tpu.memory_space<hbm>>
        tpu.wait_dma2 semaphore(%arg17 : memref<!tpu.dma_semaphore, #tpu.memory_space<semaphore_mem>>) src(%arg11 : memref<4x1024xf32, #tpu.memory_space<vmem>>) dst(%dma_wait3A_330 : memref<4x1024xf32, #tpu.memory_space<hbm>>)
      } else {
      }
      %scan3A_170 = arith.constant 0 : i32
      %scan3A_171 = arith.constant 0 : i32
      %scan3A_172 = arith.constant 16 : i32
      %scan3A_173 = arith.addi %scan3A_171, %scan3A_172 : i32
      %scan3A_174 = arith.constant 1 : i32
      scf.for %scan3A_321 = %scan3A_171 to %scan3A_173 step %scan3A_174  : i32 {
        %add3A_322 = vector.broadcast %scan3A_321 : i32 to vector<16xi32>
        %add3A_323 = arith.addi %iota3A, %add3A_322 : vector<16xi32>
        %and3A_324 = arith.constant 15 : i32
        %and3A_325 = vector.broadcast %and3A_324 : i32 to vector<16xi32>
        %and3A_326 = arith.andi %add3A_323, %and3A_325 : vector<16xi32>
        %add3A_327 = arith.constant 0 : i32
        %add3A_328 = vector.broadcast %add3A_327 : i32 to vector<16xi32>
        %add3A_329 = arith.addi %add3A_328, %and3A_326 : vector<16xi32>
        %shift_right_logical3A = arith.constant 3 : i32
        %shift_right_logical3A_330 = vector.broadcast %shift_right_logical3A : i32 to vector<16xi32>
        %shift_right_logical3A_331 = arith.shrui %add3A_329, %shift_right_logical3A_330 : vector<16xi32>
        %and3A_332 = arith.constant 7 : i32
        %and3A_333 = vector.broadcast %and3A_332 : i32 to vector<16xi32>
        %and3A_334 = arith.andi %add3A_329, %and3A_333 : vector<16xi32>
        %shift_left3A = arith.constant 7 : i32
        %shift_left3A_335 = vector.broadcast %shift_left3A : i32 to vector<16xi32>
        %shift_left3A_336 = arith.shli %and3A_334, %shift_left3A_335 : vector<16xi32>
        %gather3A = tpu.vector_load_idx %arg7[%add3A_5, %add3A_329] : memref<128x32xf32, #tpu.memory_space<vmem>>[vector<16xi32>, vector<16xi32>], vector<16xf32>,
        %add3A_337 = arith.addi %shift_left3A_336, %add3A_5 : vector<16xi32>
        tpu.vector_store_idx %arg11[%shift_right_logical3A_331, %add3A_337], %gather3A : memref<4x1024xf32, #tpu.memory_space<vmem>>[vector<16xi32>, vector<16xi32>], vector<16xf32>,
        %gather3A_338 = tpu.vector_load_idx %arg7[%add3A_8, %add3A_329] : memref<128x32xf32, #tpu.memory_space<vmem>>[vector<16xi32>, vector<16xi32>], vector<16xf32>,
        %add3A_339 = arith.addi %shift_left3A_336, %add3A_8 : vector<16xi32>
        tpu.vector_store_idx %arg11[%shift_right_logical3A_331, %add3A_339], %gather3A_338 : memref<4x1024xf32, #tpu.memory_space<vmem>>[vector<16xi32>, vector<16xi32>], vector<16xf32>,
        %gather3A_340 = tpu.vector_load_idx %arg7[%add3A_11, %add3A_329] : memref<128x32xf32, #tpu.memory_space<vmem>>[vector<16xi32>, vector<16xi32>], vector<16xf32>,
        %add3A_341 = arith.addi %shift_left3A_336, %add3A_11 : vector<16xi32>
        tpu.vector_store_idx %arg11[%shift_right_logical3A_331, %add3A_341], %gather3A_340 : memref<4x1024xf32, #tpu.memory_space<vmem>>[vector<16xi32>, vector<16xi32>], vector<16xf32>,
        %gather3A_342 = tpu.vector_load_idx %arg7[%add3A_14, %add3A_329] : memref<128x32xf32, #tpu.memory_space<vmem>>[vector<16xi32>, vector<16xi32>], vector<16xf32>,
        %add3A_343 = arith.addi %shift_left3A_336, %add3A_14 : vector<16xi32>
        tpu.vector_store_idx %arg11[%shift_right_logical3A_331, %add3A_343], %gather3A_342 : memref<4x1024xf32, #tpu.memory_space<vmem>>[vector<16xi32>, vector<16xi32>], vector<16xf32>,
        %gather3A_344 = tpu.vector_load_idx %arg7[%add3A_17, %add3A_329] : memref<128x32xf32, #tpu.memory_space<vmem>>[vector<16xi32>, vector<16xi32>], vector<16xf32>,
        %add3A_345 = arith.addi %shift_left3A_336, %add3A_17 : vector<16xi32>
        tpu.vector_store_idx %arg11[%shift_right_logical3A_331, %add3A_345], %gather3A_344 : memref<4x1024xf32, #tpu.memory_space<vmem>>[vector<16xi32>, vector<16xi32>], vector<16xf32>,
        %gather3A_346 = tpu.vector_load_idx %arg7[%add3A_20, %add3A_329] : memref<128x32xf32, #tpu.memory_space<vmem>>[vector<16xi32>, vector<16xi32>], vector<16xf32>,
        %add3A_347 = arith.addi %shift_left3A_336, %add3A_20 : vector<16xi32>
        tpu.vector_store_idx %arg11[%shift_right_logical3A_331, %add3A_347], %gather3A_346 : memref<4x1024xf32, #tpu.memory_space<vmem>>[vector<16xi32>, vector<16xi32>], vector<16xf32>,
        %gather3A_348 = tpu.vector_load_idx %arg7[%add3A_23, %add3A_329] : memref<128x32xf32, #tpu.memory_space<vmem>>[vector<16xi32>, vector<16xi32>], vector<16xf32>,
        %add3A_349 = arith.addi %shift_left3A_336, %add3A_23 : vector<16xi32>
        tpu.vector_store_idx %arg11[%shift_right_logical3A_331, %add3A_349], %gather3A_348 : memref<4x1024xf32, #tpu.memory_space<vmem>>[vector<16xi32>, vector<16xi32>], vector<16xf32>,
        %gather3A_350 = tpu.vector_load_idx %arg7[%add3A_26, %add3A_329] : memref<128x32xf32, #tpu.memory_space<vmem>>[vector<16xi32>, vector<16xi32>], vector<16xf32>,
        %add3A_351 = arith.addi %shift_left3A_336, %add3A_26 : vector<16xi32>
        tpu.vector_store_idx %arg11[%shift_right_logical3A_331, %add3A_351], %gather3A_350 : memref<4x1024xf32, #tpu.memory_space<vmem>>[vector<16xi32>, vector<16xi32>], vector<16xf32>,
        %add3A_352 = vector.broadcast %scan3A_321 : i32 to vector<16xi32>
        %add3A_353 = arith.addi %iota3A, %add3A_352 : vector<16xi32>
        %and3A_354 = arith.constant 15 : i32
        %and3A_355 = vector.broadcast %and3A_354 : i32 to vector<16xi32>
        %and3A_356 = arith.andi %add3A_353, %and3A_355 : vector<16xi32>
        %add3A_357 = arith.constant 16 : i32
        %add3A_358 = vector.broadcast %add3A_357 : i32 to vector<16xi32>
        %add3A_359 = arith.addi %add3A_358, %and3A_356 : vector<16xi32>
        %shift_right_logical3A_360 = arith.constant 3 : i32
        %shift_right_logical3A_361 = vector.broadcast %shift_right_logical3A_360 : i32 to vector<16xi32>
        %shift_right_logical3A_362 = arith.shrui %add3A_359, %shift_right_logical3A_361 : vector<16xi32>
        %and3A_363 = arith.constant 7 : i32
        %and3A_364 = vector.broadcast %and3A_363 : i32 to vector<16xi32>
        %and3A_365 = arith.andi %add3A_359, %and3A_364 : vector<16xi32>
        %shift_left3A_366 = arith.constant 7 : i32
        %shift_left3A_367 = vector.broadcast %shift_left3A_366 : i32 to vector<16xi32>
        %shift_left3A_368 = arith.shli %and3A_365, %shift_left3A_367 : vector<16xi32>
        %gather3A_369 = tpu.vector_load_idx %arg7[%add3A_5, %add3A_359] : memref<128x32xf32, #tpu.memory_space<vmem>>[vector<16xi32>, vector<16xi32>], vector<16xf32>,
        %add3A_370 = arith.addi %shift_left3A_368, %add3A_5 : vector<16xi32>
        tpu.vector_store_idx %arg11[%shift_right_logical3A_362, %add3A_370], %gather3A_369 : memref<4x1024xf32, #tpu.memory_space<vmem>>[vector<16xi32>, vector<16xi32>], vector<16xf32>,
        %gather3A_371 = tpu.vector_load_idx %arg7[%add3A_8, %add3A_359] : memref<128x32xf32, #tpu.memory_space<vmem>>[vector<16xi32>, vector<16xi32>], vector<16xf32>,
        %add3A_372 = arith.addi %shift_left3A_368, %add3A_8 : vector<16xi32>
        tpu.vector_store_idx %arg11[%shift_right_logical3A_362, %add3A_372], %gather3A_371 : memref<4x1024xf32, #tpu.memory_space<vmem>>[vector<16xi32>, vector<16xi32>], vector<16xf32>,
        %gather3A_373 = tpu.vector_load_idx %arg7[%add3A_11, %add3A_359] : memref<128x32xf32, #tpu.memory_space<vmem>>[vector<16xi32>, vector<16xi32>], vector<16xf32>,
        %add3A_374 = arith.addi %shift_left3A_368, %add3A_11 : vector<16xi32>
        tpu.vector_store_idx %arg11[%shift_right_logical3A_362, %add3A_374], %gather3A_373 : memref<4x1024xf32, #tpu.memory_space<vmem>>[vector<16xi32>, vector<16xi32>], vector<16xf32>,
        %gather3A_375 = tpu.vector_load_idx %arg7[%add3A_14, %add3A_359] : memref<128x32xf32, #tpu.memory_space<vmem>>[vector<16xi32>, vector<16xi32>], vector<16xf32>,
        %add3A_376 = arith.addi %shift_left3A_368, %add3A_14 : vector<16xi32>
        tpu.vector_store_idx %arg11[%shift_right_logical3A_362, %add3A_376], %gather3A_375 : memref<4x1024xf32, #tpu.memory_space<vmem>>[vector<16xi32>, vector<16xi32>], vector<16xf32>,
        %gather3A_377 = tpu.vector_load_idx %arg7[%add3A_17, %add3A_359] : memref<128x32xf32, #tpu.memory_space<vmem>>[vector<16xi32>, vector<16xi32>], vector<16xf32>,
        %add3A_378 = arith.addi %shift_left3A_368, %add3A_17 : vector<16xi32>
        tpu.vector_store_idx %arg11[%shift_right_logical3A_362, %add3A_378], %gather3A_377 : memref<4x1024xf32, #tpu.memory_space<vmem>>[vector<16xi32>, vector<16xi32>], vector<16xf32>,
        %gather3A_379 = tpu.vector_load_idx %arg7[%add3A_20, %add3A_359] : memref<128x32xf32, #tpu.memory_space<vmem>>[vector<16xi32>, vector<16xi32>], vector<16xf32>,
        %add3A_380 = arith.addi %shift_left3A_368, %add3A_20 : vector<16xi32>
        tpu.vector_store_idx %arg11[%shift_right_logical3A_362, %add3A_380], %gather3A_379 : memref<4x1024xf32, #tpu.memory_space<vmem>>[vector<16xi32>, vector<16xi32>], vector<16xf32>,
        %gather3A_381 = tpu.vector_load_idx %arg7[%add3A_23, %add3A_359] : memref<128x32xf32, #tpu.memory_space<vmem>>[vector<16xi32>, vector<16xi32>], vector<16xf32>,
        %add3A_382 = arith.addi %shift_left3A_368, %add3A_23 : vector<16xi32>
        tpu.vector_store_idx %arg11[%shift_right_logical3A_362, %add3A_382], %gather3A_381 : memref<4x1024xf32, #tpu.memory_space<vmem>>[vector<16xi32>, vector<16xi32>], vector<16xf32>,
        %gather3A_383 = tpu.vector_load_idx %arg7[%add3A_26, %add3A_359] : memref<128x32xf32, #tpu.memory_space<vmem>>[vector<16xi32>, vector<16xi32>], vector<16xf32>,
        %add3A_384 = arith.addi %shift_left3A_368, %add3A_26 : vector<16xi32>
        tpu.vector_store_idx %arg11[%shift_right_logical3A_362, %add3A_384], %gather3A_383 : memref<4x1024xf32, #tpu.memory_space<vmem>>[vector<16xi32>, vector<16xi32>], vector<16xf32>,
      }
      %scan3A_175 = arith.constant 16 : i32
      %dma_start3A_176 = arith.constant 0 : i32
      %dma_start3A_177 = arith.constant 0 : i32
      %dma_start3A_178 = tpu.memref_slice %arg4[%select_n3A_156, %dma_start3A_176, %rem3A_158, %dma_start3A_177] : memref<50x4x128x1024xf32, #tpu.memory_space<hbm>> -> memref<1x4x1x1024xf32, #tpu.memory_space<hbm>>
      %dma_start3A_179 = tpu.memref_squeeze %dma_start3A_178 : memref<1x4x1x1024xf32, #tpu.memory_space<hbm>> -> memref<4x1024xf32, #tpu.memory_space<hbm>>
      %dma_start3A_180 = arith.constant 0 : i32
      %dma_start3A_181 = arith.constant 0 : i32
      %dma_start3A_182 = tpu.memref_slice %arg4[%select_n3A_156, %dma_start3A_180, %rem3A_158, %dma_start3A_181] : memref<50x4x128x1024xf32, #tpu.memory_space<hbm>> -> memref<1x4x1x1024xf32, #tpu.memory_space<hbm>>
      %dma_start3A_183 = tpu.memref_squeeze %dma_start3A_182 : memref<1x4x1x1024xf32, #tpu.memory_space<hbm>> -> memref<4x1024xf32, #tpu.memory_space<hbm>>
      tpu.enqueue_dma source(%arg11 : memref<4x1024xf32, #tpu.memory_space<vmem>>) target(%dma_start3A_183 : memref<4x1024xf32, #tpu.memory_space<hbm>>) target_semaphore(%arg17 : memref<!tpu.dma_semaphore, #tpu.memory_space<semaphore_mem>>)
      %lt3A_184 = arith.constant 49 : i32
      %lt3A_185 = arith.cmpi slt, %scan3A_78, %lt3A_184 : i32
      %convert_element_type3A_186 = arith.extui %lt3A_185 : i1 to i32
      %cond3A_187 = arith.constant 0 : i32
      %cond3A_188 = arith.cmpi ne, %convert_element_type3A_186, %cond3A_187 : i32
      scf.if %cond3A_188 {
        %add3A_321 = arith.constant 4 : i32
        %add3A_322 = arith.addi %add3A_131, %add3A_321 : i32
        %dma_start3A_323 = arith.constant 0 : i32
        %dma_start3A_324 = tpu.memref_slice %arg5[%add3A_322, %dma_start3A_323] : memref<200x128xi32, #tpu.memory_space<vmem>> -> memref<1x128xi32, #tpu.memory_space<vmem>>
        %dma_start3A_325 = tpu.memref_squeeze %dma_start3A_324 : memref<1x128xi32, #tpu.memory_space<vmem>> -> memref<128xi32, #tpu.memory_space<vmem>>
        %dma_start3A_326 = arith.constant 0 : i32
        %dma_start3A_327 = arith.constant 0 : i32
        %dma_start3A_328 = tpu.memref_slice %arg3[%dma_start3A_326, %dma_start3A_327] : memref<1000000x32xf32, #tpu.memory_space<hbm>> -> memref<1000000x32xf32, #tpu.memory_space<hbm>>
        tpu.enqueue_indirect_dma source(%dma_start3A_328 : memref<1000000x32xf32, #tpu.memory_space<hbm>>) target(%arg7 : memref<128x32xf32, #tpu.memory_space<vmem>>) offsets(%dma_start3A_325 : memref<128xi32, #tpu.memory_space<vmem>>) semaphore(%arg13 : memref<!tpu.dma_semaphore, #tpu.memory_space<semaphore_mem>>)
      } else {
      }
      %mul3A_189 = arith.constant 4 : i32
      %mul3A_190 = arith.muli %scan3A_78, %mul3A_189 : i32
      %add3A_191 = arith.constant 2 : i32
      %add3A_192 = arith.addi %mul3A_190, %add3A_191 : i32
      %add3A_193 = arith.addi %mul3A_2, %add3A_192 : i32
      %jit3A_194 = arith.constant 128 : i32
      %div3A_195 = arith.divsi %add3A_193, %jit3A_194 : i32
      %sign3A_196 = arith.constant 0 : i32
      %sign3A_197 = arith.cmpi sgt, %add3A_193, %sign3A_196 : i32
      %sign3A_198 = arith.extui %sign3A_197 : i1 to i32
      %sign3A_199 = arith.constant 0 : i32
      %sign3A_200 = arith.cmpi slt, %add3A_193, %sign3A_199 : i32
      %sign3A_201 = arith.extui %sign3A_200 : i1 to i32
      %sign3A_202 = arith.subi %sign3A_198, %sign3A_201 : i32
      %sign3A_203 = arith.constant 0 : i32
      %sign3A_204 = arith.cmpi sgt, %jit3A_194, %sign3A_203 : i32
      %sign3A_205 = arith.extui %sign3A_204 : i1 to i32
      %sign3A_206 = arith.constant 0 : i32
      %sign3A_207 = arith.cmpi slt, %jit3A_194, %sign3A_206 : i32
      %sign3A_208 = arith.extui %sign3A_207 : i1 to i32
      %sign3A_209 = arith.subi %sign3A_205, %sign3A_208 : i32
      %ne3A_210 = arith.cmpi ne, %sign3A_202, %sign3A_209 : i32
      %rem3A_211 = arith.remsi %add3A_193, %jit3A_194 : i32
      %ne3A_212 = arith.constant 0 : i32
      %ne3A_213 = arith.cmpi ne, %rem3A_211, %ne3A_212 : i32
      %and3A_214 = arith.andi %ne3A_210, %ne3A_213 : i1
      %sub3A_215 = arith.constant 1 : i32
      %sub3A_216 = arith.subi %div3A_195, %sub3A_215 : i32
      %select_n3A_217 = arith.select %and3A_214, %sub3A_216, %div3A_195 : i32
      %rem3A_218 = arith.constant 128 : i32
      %rem3A_219 = arith.remsi %add3A_193, %rem3A_218 : i32
      %dma_wait3A_220 = arith.constant 0 : i32
      %dma_wait3A_221 = arith.constant 0 : i32
      %dma_wait3A_222 = tpu.memref_slice %arg3[%dma_wait3A_220, %dma_wait3A_221] : memref<1000000x32xf32, #tpu.memory_space<hbm>> -> memref<128x32xf32, #tpu.memory_space<hbm>>
      %dma_wait3A_223 = arith.constant 0 : i32
      %dma_wait3A_224 = arith.constant 0 : i32
      %dma_wait3A_225 = tpu.memref_slice %arg3[%dma_wait3A_223, %dma_wait3A_224] : memref<1000000x32xf32, #tpu.memory_space<hbm>> -> memref<128x32xf32, #tpu.memory_space<hbm>>
      tpu.wait_dma2 semaphore(%arg14 : memref<!tpu.dma_semaphore, #tpu.memory_space<semaphore_mem>>) src(%dma_wait3A_225 : memref<128x32xf32, #tpu.memory_space<hbm>>) dst(%arg8 : memref<128x32xf32, #tpu.memory_space<vmem>>)
      %dma_wait3A_226 = arith.constant 0 : i32
      %dma_wait3A_227 = arith.constant 0 : i32
      %dma_wait3A_228 = arith.constant 0 : i32
      %dma_wait3A_229 = arith.constant 0 : i32
      %dma_wait3A_230 = tpu.memref_slice %arg4[%dma_wait3A_226, %dma_wait3A_228, %dma_wait3A_227, %dma_wait3A_229] : memref<50x4x128x1024xf32, #tpu.memory_space<hbm>> -> memref<1x4x1x1024xf32, #tpu.memory_space<hbm>>
      %dma_wait3A_231 = tpu.memref_squeeze %dma_wait3A_230 : memref<1x4x1x1024xf32, #tpu.memory_space<hbm>> -> memref<4x1024xf32, #tpu.memory_space<hbm>>
      %dma_wait3A_232 = arith.constant 0 : i32
      %dma_wait3A_233 = arith.constant 0 : i32
      %dma_wait3A_234 = tpu.memref_slice %arg4[%dma_wait3A_226, %dma_wait3A_232, %dma_wait3A_227, %dma_wait3A_233] : memref<50x4x128x1024xf32, #tpu.memory_space<hbm>> -> memref<1x4x1x1024xf32, #tpu.memory_space<hbm>>
      %dma_wait3A_235 = tpu.memref_squeeze %dma_wait3A_234 : memref<1x4x1x1024xf32, #tpu.memory_space<hbm>> -> memref<4x1024xf32, #tpu.memory_space<hbm>>
      tpu.wait_dma2 semaphore(%arg16 : memref<!tpu.dma_semaphore, #tpu.memory_space<semaphore_mem>>) src(%arg10 : memref<4x1024xf32, #tpu.memory_space<vmem>>) dst(%dma_wait3A_235 : memref<4x1024xf32, #tpu.memory_space<hbm>>)
      %scan3A_236 = arith.constant 0 : i32
      %scan3A_237 = arith.constant 0 : i32
      %scan3A_238 = arith.constant 16 : i32
      %scan3A_239 = arith.addi %scan3A_237, %scan3A_238 : i32
      %scan3A_240 = arith.constant 1 : i32
      scf.for %scan3A_321 = %scan3A_237 to %scan3A_239 step %scan3A_240  : i32 {
        %add3A_322 = vector.broadcast %scan3A_321 : i32 to vector<16xi32>
        %add3A_323 = arith.addi %iota3A, %add3A_322 : vector<16xi32>
        %and3A_324 = arith.constant 15 : i32
        %and3A_325 = vector.broadcast %and3A_324 : i32 to vector<16xi32>
        %and3A_326 = arith.andi %add3A_323, %and3A_325 : vector<16xi32>
        %add3A_327 = arith.constant 0 : i32
        %add3A_328 = vector.broadcast %add3A_327 : i32 to vector<16xi32>
        %add3A_329 = arith.addi %add3A_328, %and3A_326 : vector<16xi32>
        %shift_right_logical3A = arith.constant 3 : i32
        %shift_right_logical3A_330 = vector.broadcast %shift_right_logical3A : i32 to vector<16xi32>
        %shift_right_logical3A_331 = arith.shrui %add3A_329, %shift_right_logical3A_330 : vector<16xi32>
        %and3A_332 = arith.constant 7 : i32
        %and3A_333 = vector.broadcast %and3A_332 : i32 to vector<16xi32>
        %and3A_334 = arith.andi %add3A_329, %and3A_333 : vector<16xi32>
        %shift_left3A = arith.constant 7 : i32
        %shift_left3A_335 = vector.broadcast %shift_left3A : i32 to vector<16xi32>
        %shift_left3A_336 = arith.shli %and3A_334, %shift_left3A_335 : vector<16xi32>
        %gather3A = tpu.vector_load_idx %arg8[%add3A_5, %add3A_329] : memref<128x32xf32, #tpu.memory_space<vmem>>[vector<16xi32>, vector<16xi32>], vector<16xf32>,
        %add3A_337 = arith.addi %shift_left3A_336, %add3A_5 : vector<16xi32>
        tpu.vector_store_idx %arg10[%shift_right_logical3A_331, %add3A_337], %gather3A : memref<4x1024xf32, #tpu.memory_space<vmem>>[vector<16xi32>, vector<16xi32>], vector<16xf32>,
        %gather3A_338 = tpu.vector_load_idx %arg8[%add3A_8, %add3A_329] : memref<128x32xf32, #tpu.memory_space<vmem>>[vector<16xi32>, vector<16xi32>], vector<16xf32>,
        %add3A_339 = arith.addi %shift_left3A_336, %add3A_8 : vector<16xi32>
        tpu.vector_store_idx %arg10[%shift_right_logical3A_331, %add3A_339], %gather3A_338 : memref<4x1024xf32, #tpu.memory_space<vmem>>[vector<16xi32>, vector<16xi32>], vector<16xf32>,
        %gather3A_340 = tpu.vector_load_idx %arg8[%add3A_11, %add3A_329] : memref<128x32xf32, #tpu.memory_space<vmem>>[vector<16xi32>, vector<16xi32>], vector<16xf32>,
        %add3A_341 = arith.addi %shift_left3A_336, %add3A_11 : vector<16xi32>
        tpu.vector_store_idx %arg10[%shift_right_logical3A_331, %add3A_341], %gather3A_340 : memref<4x1024xf32, #tpu.memory_space<vmem>>[vector<16xi32>, vector<16xi32>], vector<16xf32>,
        %gather3A_342 = tpu.vector_load_idx %arg8[%add3A_14, %add3A_329] : memref<128x32xf32, #tpu.memory_space<vmem>>[vector<16xi32>, vector<16xi32>], vector<16xf32>,
        %add3A_343 = arith.addi %shift_left3A_336, %add3A_14 : vector<16xi32>
        tpu.vector_store_idx %arg10[%shift_right_logical3A_331, %add3A_343], %gather3A_342 : memref<4x1024xf32, #tpu.memory_space<vmem>>[vector<16xi32>, vector<16xi32>], vector<16xf32>,
        %gather3A_344 = tpu.vector_load_idx %arg8[%add3A_17, %add3A_329] : memref<128x32xf32, #tpu.memory_space<vmem>>[vector<16xi32>, vector<16xi32>], vector<16xf32>,
        %add3A_345 = arith.addi %shift_left3A_336, %add3A_17 : vector<16xi32>
        tpu.vector_store_idx %arg10[%shift_right_logical3A_331, %add3A_345], %gather3A_344 : memref<4x1024xf32, #tpu.memory_space<vmem>>[vector<16xi32>, vector<16xi32>], vector<16xf32>,
        %gather3A_346 = tpu.vector_load_idx %arg8[%add3A_20, %add3A_329] : memref<128x32xf32, #tpu.memory_space<vmem>>[vector<16xi32>, vector<16xi32>], vector<16xf32>,
        %add3A_347 = arith.addi %shift_left3A_336, %add3A_20 : vector<16xi32>
        tpu.vector_store_idx %arg10[%shift_right_logical3A_331, %add3A_347], %gather3A_346 : memref<4x1024xf32, #tpu.memory_space<vmem>>[vector<16xi32>, vector<16xi32>], vector<16xf32>,
        %gather3A_348 = tpu.vector_load_idx %arg8[%add3A_23, %add3A_329] : memref<128x32xf32, #tpu.memory_space<vmem>>[vector<16xi32>, vector<16xi32>], vector<16xf32>,
        %add3A_349 = arith.addi %shift_left3A_336, %add3A_23 : vector<16xi32>
        tpu.vector_store_idx %arg10[%shift_right_logical3A_331, %add3A_349], %gather3A_348 : memref<4x1024xf32, #tpu.memory_space<vmem>>[vector<16xi32>, vector<16xi32>], vector<16xf32>,
        %gather3A_350 = tpu.vector_load_idx %arg8[%add3A_26, %add3A_329] : memref<128x32xf32, #tpu.memory_space<vmem>>[vector<16xi32>, vector<16xi32>], vector<16xf32>,
        %add3A_351 = arith.addi %shift_left3A_336, %add3A_26 : vector<16xi32>
        tpu.vector_store_idx %arg10[%shift_right_logical3A_331, %add3A_351], %gather3A_350 : memref<4x1024xf32, #tpu.memory_space<vmem>>[vector<16xi32>, vector<16xi32>], vector<16xf32>,
        %add3A_352 = vector.broadcast %scan3A_321 : i32 to vector<16xi32>
        %add3A_353 = arith.addi %iota3A, %add3A_352 : vector<16xi32>
        %and3A_354 = arith.constant 15 : i32
        %and3A_355 = vector.broadcast %and3A_354 : i32 to vector<16xi32>
        %and3A_356 = arith.andi %add3A_353, %and3A_355 : vector<16xi32>
        %add3A_357 = arith.constant 16 : i32
        %add3A_358 = vector.broadcast %add3A_357 : i32 to vector<16xi32>
        %add3A_359 = arith.addi %add3A_358, %and3A_356 : vector<16xi32>
        %shift_right_logical3A_360 = arith.constant 3 : i32
        %shift_right_logical3A_361 = vector.broadcast %shift_right_logical3A_360 : i32 to vector<16xi32>
        %shift_right_logical3A_362 = arith.shrui %add3A_359, %shift_right_logical3A_361 : vector<16xi32>
        %and3A_363 = arith.constant 7 : i32
        %and3A_364 = vector.broadcast %and3A_363 : i32 to vector<16xi32>
        %and3A_365 = arith.andi %add3A_359, %and3A_364 : vector<16xi32>
        %shift_left3A_366 = arith.constant 7 : i32
        %shift_left3A_367 = vector.broadcast %shift_left3A_366 : i32 to vector<16xi32>
        %shift_left3A_368 = arith.shli %and3A_365, %shift_left3A_367 : vector<16xi32>
        %gather3A_369 = tpu.vector_load_idx %arg8[%add3A_5, %add3A_359] : memref<128x32xf32, #tpu.memory_space<vmem>>[vector<16xi32>, vector<16xi32>], vector<16xf32>,
        %add3A_370 = arith.addi %shift_left3A_368, %add3A_5 : vector<16xi32>
        tpu.vector_store_idx %arg10[%shift_right_logical3A_362, %add3A_370], %gather3A_369 : memref<4x1024xf32, #tpu.memory_space<vmem>>[vector<16xi32>, vector<16xi32>], vector<16xf32>,
        %gather3A_371 = tpu.vector_load_idx %arg8[%add3A_8, %add3A_359] : memref<128x32xf32, #tpu.memory_space<vmem>>[vector<16xi32>, vector<16xi32>], vector<16xf32>,
        %add3A_372 = arith.addi %shift_left3A_368, %add3A_8 : vector<16xi32>
        tpu.vector_store_idx %arg10[%shift_right_logical3A_362, %add3A_372], %gather3A_371 : memref<4x1024xf32, #tpu.memory_space<vmem>>[vector<16xi32>, vector<16xi32>], vector<16xf32>,
        %gather3A_373 = tpu.vector_load_idx %arg8[%add3A_11, %add3A_359] : memref<128x32xf32, #tpu.memory_space<vmem>>[vector<16xi32>, vector<16xi32>], vector<16xf32>,
        %add3A_374 = arith.addi %shift_left3A_368, %add3A_11 : vector<16xi32>
        tpu.vector_store_idx %arg10[%shift_right_logical3A_362, %add3A_374], %gather3A_373 : memref<4x1024xf32, #tpu.memory_space<vmem>>[vector<16xi32>, vector<16xi32>], vector<16xf32>,
        %gather3A_375 = tpu.vector_load_idx %arg8[%add3A_14, %add3A_359] : memref<128x32xf32, #tpu.memory_space<vmem>>[vector<16xi32>, vector<16xi32>], vector<16xf32>,
        %add3A_376 = arith.addi %shift_left3A_368, %add3A_14 : vector<16xi32>
        tpu.vector_store_idx %arg10[%shift_right_logical3A_362, %add3A_376], %gather3A_375 : memref<4x1024xf32, #tpu.memory_space<vmem>>[vector<16xi32>, vector<16xi32>], vector<16xf32>,
        %gather3A_377 = tpu.vector_load_idx %arg8[%add3A_17, %add3A_359] : memref<128x32xf32, #tpu.memory_space<vmem>>[vector<16xi32>, vector<16xi32>], vector<16xf32>,
        %add3A_378 = arith.addi %shift_left3A_368, %add3A_17 : vector<16xi32>
        tpu.vector_store_idx %arg10[%shift_right_logical3A_362, %add3A_378], %gather3A_377 : memref<4x1024xf32, #tpu.memory_space<vmem>>[vector<16xi32>, vector<16xi32>], vector<16xf32>,
        %gather3A_379 = tpu.vector_load_idx %arg8[%add3A_20, %add3A_359] : memref<128x32xf32, #tpu.memory_space<vmem>>[vector<16xi32>, vector<16xi32>], vector<16xf32>,
        %add3A_380 = arith.addi %shift_left3A_368, %add3A_20 : vector<16xi32>
        tpu.vector_store_idx %arg10[%shift_right_logical3A_362, %add3A_380], %gather3A_379 : memref<4x1024xf32, #tpu.memory_space<vmem>>[vector<16xi32>, vector<16xi32>], vector<16xf32>,
        %gather3A_381 = tpu.vector_load_idx %arg8[%add3A_23, %add3A_359] : memref<128x32xf32, #tpu.memory_space<vmem>>[vector<16xi32>, vector<16xi32>], vector<16xf32>,
        %add3A_382 = arith.addi %shift_left3A_368, %add3A_23 : vector<16xi32>
        tpu.vector_store_idx %arg10[%shift_right_logical3A_362, %add3A_382], %gather3A_381 : memref<4x1024xf32, #tpu.memory_space<vmem>>[vector<16xi32>, vector<16xi32>], vector<16xf32>,
        %gather3A_383 = tpu.vector_load_idx %arg8[%add3A_26, %add3A_359] : memref<128x32xf32, #tpu.memory_space<vmem>>[vector<16xi32>, vector<16xi32>], vector<16xf32>,
        %add3A_384 = arith.addi %shift_left3A_368, %add3A_26 : vector<16xi32>
        tpu.vector_store_idx %arg10[%shift_right_logical3A_362, %add3A_384], %gather3A_383 : memref<4x1024xf32, #tpu.memory_space<vmem>>[vector<16xi32>, vector<16xi32>], vector<16xf32>,
      }
      %scan3A_241 = arith.constant 16 : i32
      %dma_start3A_242 = arith.constant 0 : i32
      %dma_start3A_243 = arith.constant 0 : i32
      %dma_start3A_244 = tpu.memref_slice %arg4[%select_n3A_217, %dma_start3A_242, %rem3A_219, %dma_start3A_243] : memref<50x4x128x1024xf32, #tpu.memory_space<hbm>> -> memref<1x4x1x1024xf32, #tpu.memory_space<hbm>>
      %dma_start3A_245 = tpu.memref_squeeze %dma_start3A_244 : memref<1x4x1x1024xf32, #tpu.memory_space<hbm>> -> memref<4x1024xf32, #tpu.memory_space<hbm>>
      %dma_start3A_246 = arith.constant 0 : i32
      %dma_start3A_247 = arith.constant 0 : i32
      %dma_start3A_248 = tpu.memref_slice %arg4[%select_n3A_217, %dma_start3A_246, %rem3A_219, %dma_start3A_247] : memref<50x4x128x1024xf32, #tpu.memory_space<hbm>> -> memref<1x4x1x1024xf32, #tpu.memory_space<hbm>>
      %dma_start3A_249 = tpu.memref_squeeze %dma_start3A_248 : memref<1x4x1x1024xf32, #tpu.memory_space<hbm>> -> memref<4x1024xf32, #tpu.memory_space<hbm>>
      tpu.enqueue_dma source(%arg10 : memref<4x1024xf32, #tpu.memory_space<vmem>>) target(%dma_start3A_249 : memref<4x1024xf32, #tpu.memory_space<hbm>>) target_semaphore(%arg16 : memref<!tpu.dma_semaphore, #tpu.memory_space<semaphore_mem>>)
      %lt3A_250 = arith.constant 49 : i32
      %lt3A_251 = arith.cmpi slt, %scan3A_78, %lt3A_250 : i32
      %convert_element_type3A_252 = arith.extui %lt3A_251 : i1 to i32
      %cond3A_253 = arith.constant 0 : i32
      %cond3A_254 = arith.cmpi ne, %convert_element_type3A_252, %cond3A_253 : i32
      scf.if %cond3A_254 {
        %add3A_321 = arith.constant 4 : i32
        %add3A_322 = arith.addi %add3A_192, %add3A_321 : i32
        %dma_start3A_323 = arith.constant 0 : i32
        %dma_start3A_324 = tpu.memref_slice %arg5[%add3A_322, %dma_start3A_323] : memref<200x128xi32, #tpu.memory_space<vmem>> -> memref<1x128xi32, #tpu.memory_space<vmem>>
        %dma_start3A_325 = tpu.memref_squeeze %dma_start3A_324 : memref<1x128xi32, #tpu.memory_space<vmem>> -> memref<128xi32, #tpu.memory_space<vmem>>
        %dma_start3A_326 = arith.constant 0 : i32
        %dma_start3A_327 = arith.constant 0 : i32
        %dma_start3A_328 = tpu.memref_slice %arg3[%dma_start3A_326, %dma_start3A_327] : memref<1000000x32xf32, #tpu.memory_space<hbm>> -> memref<1000000x32xf32, #tpu.memory_space<hbm>>
        tpu.enqueue_indirect_dma source(%dma_start3A_328 : memref<1000000x32xf32, #tpu.memory_space<hbm>>) target(%arg8 : memref<128x32xf32, #tpu.memory_space<vmem>>) offsets(%dma_start3A_325 : memref<128xi32, #tpu.memory_space<vmem>>) semaphore(%arg14 : memref<!tpu.dma_semaphore, #tpu.memory_space<semaphore_mem>>)
      } else {
      }
      %mul3A_255 = arith.constant 4 : i32
      %mul3A_256 = arith.muli %scan3A_78, %mul3A_255 : i32
      %add3A_257 = arith.constant 3 : i32
      %add3A_258 = arith.addi %mul3A_256, %add3A_257 : i32
      %add3A_259 = arith.addi %mul3A_2, %add3A_258 : i32
      %jit3A_260 = arith.constant 128 : i32
      %div3A_261 = arith.divsi %add3A_259, %jit3A_260 : i32
      %sign3A_262 = arith.constant 0 : i32
      %sign3A_263 = arith.cmpi sgt, %add3A_259, %sign3A_262 : i32
      %sign3A_264 = arith.extui %sign3A_263 : i1 to i32
      %sign3A_265 = arith.constant 0 : i32
      %sign3A_266 = arith.cmpi slt, %add3A_259, %sign3A_265 : i32
      %sign3A_267 = arith.extui %sign3A_266 : i1 to i32
      %sign3A_268 = arith.subi %sign3A_264, %sign3A_267 : i32
      %sign3A_269 = arith.constant 0 : i32
      %sign3A_270 = arith.cmpi sgt, %jit3A_260, %sign3A_269 : i32
      %sign3A_271 = arith.extui %sign3A_270 : i1 to i32
      %sign3A_272 = arith.constant 0 : i32
      %sign3A_273 = arith.cmpi slt, %jit3A_260, %sign3A_272 : i32
      %sign3A_274 = arith.extui %sign3A_273 : i1 to i32
      %sign3A_275 = arith.subi %sign3A_271, %sign3A_274 : i32
      %ne3A_276 = arith.cmpi ne, %sign3A_268, %sign3A_275 : i32
      %rem3A_277 = arith.remsi %add3A_259, %jit3A_260 : i32
      %ne3A_278 = arith.constant 0 : i32
      %ne3A_279 = arith.cmpi ne, %rem3A_277, %ne3A_278 : i32
      %and3A_280 = arith.andi %ne3A_276, %ne3A_279 : i1
      %sub3A_281 = arith.constant 1 : i32
      %sub3A_282 = arith.subi %div3A_261, %sub3A_281 : i32
      %select_n3A_283 = arith.select %and3A_280, %sub3A_282, %div3A_261 : i32
      %rem3A_284 = arith.constant 128 : i32
      %rem3A_285 = arith.remsi %add3A_259, %rem3A_284 : i32
      %dma_wait3A_286 = arith.constant 0 : i32
      %dma_wait3A_287 = arith.constant 0 : i32
      %dma_wait3A_288 = tpu.memref_slice %arg3[%dma_wait3A_286, %dma_wait3A_287] : memref<1000000x32xf32, #tpu.memory_space<hbm>> -> memref<128x32xf32, #tpu.memory_space<hbm>>
      %dma_wait3A_289 = arith.constant 0 : i32
      %dma_wait3A_290 = arith.constant 0 : i32
      %dma_wait3A_291 = tpu.memref_slice %arg3[%dma_wait3A_289, %dma_wait3A_290] : memref<1000000x32xf32, #tpu.memory_space<hbm>> -> memref<128x32xf32, #tpu.memory_space<hbm>>
      tpu.wait_dma2 semaphore(%arg15 : memref<!tpu.dma_semaphore, #tpu.memory_space<semaphore_mem>>) src(%dma_wait3A_291 : memref<128x32xf32, #tpu.memory_space<hbm>>) dst(%arg9 : memref<128x32xf32, #tpu.memory_space<vmem>>)
      %dma_wait3A_292 = arith.constant 0 : i32
      %dma_wait3A_293 = arith.constant 0 : i32
      %dma_wait3A_294 = arith.constant 0 : i32
      %dma_wait3A_295 = arith.constant 0 : i32
      %dma_wait3A_296 = tpu.memref_slice %arg4[%dma_wait3A_292, %dma_wait3A_294, %dma_wait3A_293, %dma_wait3A_295] : memref<50x4x128x1024xf32, #tpu.memory_space<hbm>> -> memref<1x4x1x1024xf32, #tpu.memory_space<hbm>>
      %dma_wait3A_297 = tpu.memref_squeeze %dma_wait3A_296 : memref<1x4x1x1024xf32, #tpu.memory_space<hbm>> -> memref<4x1024xf32, #tpu.memory_space<hbm>>
      %dma_wait3A_298 = arith.constant 0 : i32
      %dma_wait3A_299 = arith.constant 0 : i32
      %dma_wait3A_300 = tpu.memref_slice %arg4[%dma_wait3A_292, %dma_wait3A_298, %dma_wait3A_293, %dma_wait3A_299] : memref<50x4x128x1024xf32, #tpu.memory_space<hbm>> -> memref<1x4x1x1024xf32, #tpu.memory_space<hbm>>
      %dma_wait3A_301 = tpu.memref_squeeze %dma_wait3A_300 : memref<1x4x1x1024xf32, #tpu.memory_space<hbm>> -> memref<4x1024xf32, #tpu.memory_space<hbm>>
      tpu.wait_dma2 semaphore(%arg17 : memref<!tpu.dma_semaphore, #tpu.memory_space<semaphore_mem>>) src(%arg11 : memref<4x1024xf32, #tpu.memory_space<vmem>>) dst(%dma_wait3A_301 : memref<4x1024xf32, #tpu.memory_space<hbm>>)
      %scan3A_302 = arith.constant 0 : i32
      %scan3A_303 = arith.constant 0 : i32
      %scan3A_304 = arith.constant 16 : i32
      %scan3A_305 = arith.addi %scan3A_303, %scan3A_304 : i32
      %scan3A_306 = arith.constant 1 : i32
      scf.for %scan3A_321 = %scan3A_303 to %scan3A_305 step %scan3A_306  : i32 {
        %add3A_322 = vector.broadcast %scan3A_321 : i32 to vector<16xi32>
        %add3A_323 = arith.addi %iota3A, %add3A_322 : vector<16xi32>
        %and3A_324 = arith.constant 15 : i32
        %and3A_325 = vector.broadcast %and3A_324 : i32 to vector<16xi32>
        %and3A_326 = arith.andi %add3A_323, %and3A_325 : vector<16xi32>
        %add3A_327 = arith.constant 0 : i32
        %add3A_328 = vector.broadcast %add3A_327 : i32 to vector<16xi32>
        %add3A_329 = arith.addi %add3A_328, %and3A_326 : vector<16xi32>
        %shift_right_logical3A = arith.constant 3 : i32
        %shift_right_logical3A_330 = vector.broadcast %shift_right_logical3A : i32 to vector<16xi32>
        %shift_right_logical3A_331 = arith.shrui %add3A_329, %shift_right_logical3A_330 : vector<16xi32>
        %and3A_332 = arith.constant 7 : i32
        %and3A_333 = vector.broadcast %and3A_332 : i32 to vector<16xi32>
        %and3A_334 = arith.andi %add3A_329, %and3A_333 : vector<16xi32>
        %shift_left3A = arith.constant 7 : i32
        %shift_left3A_335 = vector.broadcast %shift_left3A : i32 to vector<16xi32>
        %shift_left3A_336 = arith.shli %and3A_334, %shift_left3A_335 : vector<16xi32>
        %gather3A = tpu.vector_load_idx %arg9[%add3A_5, %add3A_329] : memref<128x32xf32, #tpu.memory_space<vmem>>[vector<16xi32>, vector<16xi32>], vector<16xf32>,
        %add3A_337 = arith.addi %shift_left3A_336, %add3A_5 : vector<16xi32>
        tpu.vector_store_idx %arg11[%shift_right_logical3A_331, %add3A_337], %gather3A : memref<4x1024xf32, #tpu.memory_space<vmem>>[vector<16xi32>, vector<16xi32>], vector<16xf32>,
        %gather3A_338 = tpu.vector_load_idx %arg9[%add3A_8, %add3A_329] : memref<128x32xf32, #tpu.memory_space<vmem>>[vector<16xi32>, vector<16xi32>], vector<16xf32>,
        %add3A_339 = arith.addi %shift_left3A_336, %add3A_8 : vector<16xi32>
        tpu.vector_store_idx %arg11[%shift_right_logical3A_331, %add3A_339], %gather3A_338 : memref<4x1024xf32, #tpu.memory_space<vmem>>[vector<16xi32>, vector<16xi32>], vector<16xf32>,
        %gather3A_340 = tpu.vector_load_idx %arg9[%add3A_11, %add3A_329] : memref<128x32xf32, #tpu.memory_space<vmem>>[vector<16xi32>, vector<16xi32>], vector<16xf32>,
        %add3A_341 = arith.addi %shift_left3A_336, %add3A_11 : vector<16xi32>
        tpu.vector_store_idx %arg11[%shift_right_logical3A_331, %add3A_341], %gather3A_340 : memref<4x1024xf32, #tpu.memory_space<vmem>>[vector<16xi32>, vector<16xi32>], vector<16xf32>,
        %gather3A_342 = tpu.vector_load_idx %arg9[%add3A_14, %add3A_329] : memref<128x32xf32, #tpu.memory_space<vmem>>[vector<16xi32>, vector<16xi32>], vector<16xf32>,
        %add3A_343 = arith.addi %shift_left3A_336, %add3A_14 : vector<16xi32>
        tpu.vector_store_idx %arg11[%shift_right_logical3A_331, %add3A_343], %gather3A_342 : memref<4x1024xf32, #tpu.memory_space<vmem>>[vector<16xi32>, vector<16xi32>], vector<16xf32>,
        %gather3A_344 = tpu.vector_load_idx %arg9[%add3A_17, %add3A_329] : memref<128x32xf32, #tpu.memory_space<vmem>>[vector<16xi32>, vector<16xi32>], vector<16xf32>,
        %add3A_345 = arith.addi %shift_left3A_336, %add3A_17 : vector<16xi32>
        tpu.vector_store_idx %arg11[%shift_right_logical3A_331, %add3A_345], %gather3A_344 : memref<4x1024xf32, #tpu.memory_space<vmem>>[vector<16xi32>, vector<16xi32>], vector<16xf32>,
        %gather3A_346 = tpu.vector_load_idx %arg9[%add3A_20, %add3A_329] : memref<128x32xf32, #tpu.memory_space<vmem>>[vector<16xi32>, vector<16xi32>], vector<16xf32>,
        %add3A_347 = arith.addi %shift_left3A_336, %add3A_20 : vector<16xi32>
        tpu.vector_store_idx %arg11[%shift_right_logical3A_331, %add3A_347], %gather3A_346 : memref<4x1024xf32, #tpu.memory_space<vmem>>[vector<16xi32>, vector<16xi32>], vector<16xf32>,
        %gather3A_348 = tpu.vector_load_idx %arg9[%add3A_23, %add3A_329] : memref<128x32xf32, #tpu.memory_space<vmem>>[vector<16xi32>, vector<16xi32>], vector<16xf32>,
        %add3A_349 = arith.addi %shift_left3A_336, %add3A_23 : vector<16xi32>
        tpu.vector_store_idx %arg11[%shift_right_logical3A_331, %add3A_349], %gather3A_348 : memref<4x1024xf32, #tpu.memory_space<vmem>>[vector<16xi32>, vector<16xi32>], vector<16xf32>,
        %gather3A_350 = tpu.vector_load_idx %arg9[%add3A_26, %add3A_329] : memref<128x32xf32, #tpu.memory_space<vmem>>[vector<16xi32>, vector<16xi32>], vector<16xf32>,
        %add3A_351 = arith.addi %shift_left3A_336, %add3A_26 : vector<16xi32>
        tpu.vector_store_idx %arg11[%shift_right_logical3A_331, %add3A_351], %gather3A_350 : memref<4x1024xf32, #tpu.memory_space<vmem>>[vector<16xi32>, vector<16xi32>], vector<16xf32>,
        %add3A_352 = vector.broadcast %scan3A_321 : i32 to vector<16xi32>
        %add3A_353 = arith.addi %iota3A, %add3A_352 : vector<16xi32>
        %and3A_354 = arith.constant 15 : i32
        %and3A_355 = vector.broadcast %and3A_354 : i32 to vector<16xi32>
        %and3A_356 = arith.andi %add3A_353, %and3A_355 : vector<16xi32>
        %add3A_357 = arith.constant 16 : i32
        %add3A_358 = vector.broadcast %add3A_357 : i32 to vector<16xi32>
        %add3A_359 = arith.addi %add3A_358, %and3A_356 : vector<16xi32>
        %shift_right_logical3A_360 = arith.constant 3 : i32
        %shift_right_logical3A_361 = vector.broadcast %shift_right_logical3A_360 : i32 to vector<16xi32>
        %shift_right_logical3A_362 = arith.shrui %add3A_359, %shift_right_logical3A_361 : vector<16xi32>
        %and3A_363 = arith.constant 7 : i32
        %and3A_364 = vector.broadcast %and3A_363 : i32 to vector<16xi32>
        %and3A_365 = arith.andi %add3A_359, %and3A_364 : vector<16xi32>
        %shift_left3A_366 = arith.constant 7 : i32
        %shift_left3A_367 = vector.broadcast %shift_left3A_366 : i32 to vector<16xi32>
        %shift_left3A_368 = arith.shli %and3A_365, %shift_left3A_367 : vector<16xi32>
        %gather3A_369 = tpu.vector_load_idx %arg9[%add3A_5, %add3A_359] : memref<128x32xf32, #tpu.memory_space<vmem>>[vector<16xi32>, vector<16xi32>], vector<16xf32>,
        %add3A_370 = arith.addi %shift_left3A_368, %add3A_5 : vector<16xi32>
        tpu.vector_store_idx %arg11[%shift_right_logical3A_362, %add3A_370], %gather3A_369 : memref<4x1024xf32, #tpu.memory_space<vmem>>[vector<16xi32>, vector<16xi32>], vector<16xf32>,
        %gather3A_371 = tpu.vector_load_idx %arg9[%add3A_8, %add3A_359] : memref<128x32xf32, #tpu.memory_space<vmem>>[vector<16xi32>, vector<16xi32>], vector<16xf32>,
        %add3A_372 = arith.addi %shift_left3A_368, %add3A_8 : vector<16xi32>
        tpu.vector_store_idx %arg11[%shift_right_logical3A_362, %add3A_372], %gather3A_371 : memref<4x1024xf32, #tpu.memory_space<vmem>>[vector<16xi32>, vector<16xi32>], vector<16xf32>,
        %gather3A_373 = tpu.vector_load_idx %arg9[%add3A_11, %add3A_359] : memref<128x32xf32, #tpu.memory_space<vmem>>[vector<16xi32>, vector<16xi32>], vector<16xf32>,
        %add3A_374 = arith.addi %shift_left3A_368, %add3A_11 : vector<16xi32>
        tpu.vector_store_idx %arg11[%shift_right_logical3A_362, %add3A_374], %gather3A_373 : memref<4x1024xf32, #tpu.memory_space<vmem>>[vector<16xi32>, vector<16xi32>], vector<16xf32>,
        %gather3A_375 = tpu.vector_load_idx %arg9[%add3A_14, %add3A_359] : memref<128x32xf32, #tpu.memory_space<vmem>>[vector<16xi32>, vector<16xi32>], vector<16xf32>,
        %add3A_376 = arith.addi %shift_left3A_368, %add3A_14 : vector<16xi32>
        tpu.vector_store_idx %arg11[%shift_right_logical3A_362, %add3A_376], %gather3A_375 : memref<4x1024xf32, #tpu.memory_space<vmem>>[vector<16xi32>, vector<16xi32>], vector<16xf32>,
        %gather3A_377 = tpu.vector_load_idx %arg9[%add3A_17, %add3A_359] : memref<128x32xf32, #tpu.memory_space<vmem>>[vector<16xi32>, vector<16xi32>], vector<16xf32>,
        %add3A_378 = arith.addi %shift_left3A_368, %add3A_17 : vector<16xi32>
        tpu.vector_store_idx %arg11[%shift_right_logical3A_362, %add3A_378], %gather3A_377 : memref<4x1024xf32, #tpu.memory_space<vmem>>[vector<16xi32>, vector<16xi32>], vector<16xf32>,
        %gather3A_379 = tpu.vector_load_idx %arg9[%add3A_20, %add3A_359] : memref<128x32xf32, #tpu.memory_space<vmem>>[vector<16xi32>, vector<16xi32>], vector<16xf32>,
        %add3A_380 = arith.addi %shift_left3A_368, %add3A_20 : vector<16xi32>
        tpu.vector_store_idx %arg11[%shift_right_logical3A_362, %add3A_380], %gather3A_379 : memref<4x1024xf32, #tpu.memory_space<vmem>>[vector<16xi32>, vector<16xi32>], vector<16xf32>,
        %gather3A_381 = tpu.vector_load_idx %arg9[%add3A_23, %add3A_359] : memref<128x32xf32, #tpu.memory_space<vmem>>[vector<16xi32>, vector<16xi32>], vector<16xf32>,
        %add3A_382 = arith.addi %shift_left3A_368, %add3A_23 : vector<16xi32>
        tpu.vector_store_idx %arg11[%shift_right_logical3A_362, %add3A_382], %gather3A_381 : memref<4x1024xf32, #tpu.memory_space<vmem>>[vector<16xi32>, vector<16xi32>], vector<16xf32>,
        %gather3A_383 = tpu.vector_load_idx %arg9[%add3A_26, %add3A_359] : memref<128x32xf32, #tpu.memory_space<vmem>>[vector<16xi32>, vector<16xi32>], vector<16xf32>,
        %add3A_384 = arith.addi %shift_left3A_368, %add3A_26 : vector<16xi32>
        tpu.vector_store_idx %arg11[%shift_right_logical3A_362, %add3A_384], %gather3A_383 : memref<4x1024xf32, #tpu.memory_space<vmem>>[vector<16xi32>, vector<16xi32>], vector<16xf32>,
      }
      %scan3A_307 = arith.constant 16 : i32
      %dma_start3A_308 = arith.constant 0 : i32
      %dma_start3A_309 = arith.constant 0 : i32
      %dma_start3A_310 = tpu.memref_slice %arg4[%select_n3A_283, %dma_start3A_308, %rem3A_285, %dma_start3A_309] : memref<50x4x128x1024xf32, #tpu.memory_space<hbm>> -> memref<1x4x1x1024xf32, #tpu.memory_space<hbm>>
      %dma_start3A_311 = tpu.memref_squeeze %dma_start3A_310 : memref<1x4x1x1024xf32, #tpu.memory_space<hbm>> -> memref<4x1024xf32, #tpu.memory_space<hbm>>
      %dma_start3A_312 = arith.constant 0 : i32
      %dma_start3A_313 = arith.constant 0 : i32
      %dma_start3A_314 = tpu.memref_slice %arg4[%select_n3A_283, %dma_start3A_312, %rem3A_285, %dma_start3A_313] : memref<50x4x128x1024xf32, #tpu.memory_space<hbm>> -> memref<1x4x1x1024xf32, #tpu.memory_space<hbm>>
      %dma_start3A_315 = tpu.memref_squeeze %dma_start3A_314 : memref<1x4x1x1024xf32, #tpu.memory_space<hbm>> -> memref<4x1024xf32, #tpu.memory_space<hbm>>
      tpu.enqueue_dma source(%arg11 : memref<4x1024xf32, #tpu.memory_space<vmem>>) target(%dma_start3A_315 : memref<4x1024xf32, #tpu.memory_space<hbm>>) target_semaphore(%arg17 : memref<!tpu.dma_semaphore, #tpu.memory_space<semaphore_mem>>)
      %lt3A_316 = arith.constant 49 : i32
      %lt3A_317 = arith.cmpi slt, %scan3A_78, %lt3A_316 : i32
      %convert_element_type3A_318 = arith.extui %lt3A_317 : i1 to i32
      %cond3A_319 = arith.constant 0 : i32
      %cond3A_320 = arith.cmpi ne, %convert_element_type3A_318, %cond3A_319 : i32
      scf.if %cond3A_320 {
        %add3A_321 = arith.constant 4 : i32
        %add3A_322 = arith.addi %add3A_258, %add3A_321 : i32
        %dma_start3A_323 = arith.constant 0 : i32
        %dma_start3A_324 = tpu.memref_slice %arg5[%add3A_322, %dma_start3A_323] : memref<200x128xi32, #tpu.memory_space<vmem>> -> memref<1x128xi32, #tpu.memory_space<vmem>>
        %dma_start3A_325 = tpu.memref_squeeze %dma_start3A_324 : memref<1x128xi32, #tpu.memory_space<vmem>> -> memref<128xi32, #tpu.memory_space<vmem>>
        %dma_start3A_326 = arith.constant 0 : i32
        %dma_start3A_327 = arith.constant 0 : i32
        %dma_start3A_328 = tpu.memref_slice %arg3[%dma_start3A_326, %dma_start3A_327] : memref<1000000x32xf32, #tpu.memory_space<hbm>> -> memref<1000000x32xf32, #tpu.memory_space<hbm>>
        tpu.enqueue_indirect_dma source(%dma_start3A_328 : memref<1000000x32xf32, #tpu.memory_space<hbm>>) target(%arg9 : memref<128x32xf32, #tpu.memory_space<vmem>>) offsets(%dma_start3A_325 : memref<128xi32, #tpu.memory_space<vmem>>) semaphore(%arg15 : memref<!tpu.dma_semaphore, #tpu.memory_space<semaphore_mem>>)
      } else {
      }
    }
    %scan3A_58 = arith.constant 50 : i32
    %dma_wait3A = arith.constant 0 : i32
    %dma_wait3A_59 = arith.constant 0 : i32
    %dma_wait3A_60 = arith.constant 0 : i32
    %dma_wait3A_61 = arith.constant 0 : i32
    %dma_wait3A_62 = tpu.memref_slice %arg4[%dma_wait3A, %dma_wait3A_60, %dma_wait3A_59, %dma_wait3A_61] : memref<50x4x128x1024xf32, #tpu.memory_space<hbm>> -> memref<1x4x1x1024xf32, #tpu.memory_space<hbm>>
    %dma_wait3A_63 = tpu.memref_squeeze %dma_wait3A_62 : memref<1x4x1x1024xf32, #tpu.memory_space<hbm>> -> memref<4x1024xf32, #tpu.memory_space<hbm>>
    %dma_wait3A_64 = arith.constant 0 : i32
    %dma_wait3A_65 = arith.constant 0 : i32
    %dma_wait3A_66 = tpu.memref_slice %arg4[%dma_wait3A, %dma_wait3A_64, %dma_wait3A_59, %dma_wait3A_65] : memref<50x4x128x1024xf32, #tpu.memory_space<hbm>> -> memref<1x4x1x1024xf32, #tpu.memory_space<hbm>>
    %dma_wait3A_67 = tpu.memref_squeeze %dma_wait3A_66 : memref<1x4x1x1024xf32, #tpu.memory_space<hbm>> -> memref<4x1024xf32, #tpu.memory_space<hbm>>
    tpu.wait_dma2 semaphore(%arg16 : memref<!tpu.dma_semaphore, #tpu.memory_space<semaphore_mem>>) src(%arg10 : memref<4x1024xf32, #tpu.memory_space<vmem>>) dst(%dma_wait3A_67 : memref<4x1024xf32, #tpu.memory_space<hbm>>)
    %dma_wait3A_68 = arith.constant 0 : i32
    %dma_wait3A_69 = arith.constant 0 : i32
    %dma_wait3A_70 = arith.constant 0 : i32
    %dma_wait3A_71 = arith.constant 0 : i32
    %dma_wait3A_72 = tpu.memref_slice %arg4[%dma_wait3A_68, %dma_wait3A_70, %dma_wait3A_69, %dma_wait3A_71] : memref<50x4x128x1024xf32, #tpu.memory_space<hbm>> -> memref<1x4x1x1024xf32, #tpu.memory_space<hbm>>
    %dma_wait3A_73 = tpu.memref_squeeze %dma_wait3A_72 : memref<1x4x1x1024xf32, #tpu.memory_space<hbm>> -> memref<4x1024xf32, #tpu.memory_space<hbm>>
    %dma_wait3A_74 = arith.constant 0 : i32
    %dma_wait3A_75 = arith.constant 0 : i32
    %dma_wait3A_76 = tpu.memref_slice %arg4[%dma_wait3A_68, %dma_wait3A_74, %dma_wait3A_69, %dma_wait3A_75] : memref<50x4x128x1024xf32, #tpu.memory_space<hbm>> -> memref<1x4x1x1024xf32, #tpu.memory_space<hbm>>
    %dma_wait3A_77 = tpu.memref_squeeze %dma_wait3A_76 : memref<1x4x1x1024xf32, #tpu.memory_space<hbm>> -> memref<4x1024xf32, #tpu.memory_space<hbm>>
    tpu.wait_dma2 semaphore(%arg17 : memref<!tpu.dma_semaphore, #tpu.memory_space<semaphore_mem>>) src(%arg11 : memref<4x1024xf32, #tpu.memory_space<vmem>>) dst(%dma_wait3A_77 : memref<4x1024xf32, #tpu.memory_space<hbm>>)
    return
  }
}

</mosaic_0001>

<sc_bundles>
// kernel: kernel.3.cloned.1.call-start
scs
__scs_entry_jumppad:
0x0: {  	(pc) =	sbr.rel $0x88, $3  }
0x1: {  	(tag) =	ssettag $0x0;
	lr =	simm.s32 $0x1  }
0x2: {  	[smem:$0x3F9F] =	sst lr;
	_ =	strace $0xD0000000  }
0x3: {  	_ = 	snop  }
0x4: {  	_ = 	snop  }
0x5: {  	_ = 	snop  }
0x6: {  	_ = 	snop  }
0x7: {  	_ = 	snop  }
__scs_overlays_trampoline_lowered:
0x8: {  	[smem:$0x3FAE] =	sst s0  }
0x9: {  	[smem:$0x3FAF] =	sst s1  }
0xa: {  	[smem:$0x3FB0] =	sst s2  }
0xb: {  	[smem:$0x3FB1] =	sst s3  }
0xc: {  	[smem:$0x3FB2] =	sst s4  }
0xd: {  	[smem:$0x3FB3] =	sst s5  }
0xe: {  	[smem:$0x3FB4] =	sst s6  }
0xf: {  	[smem:$0x3FB5] =	sst s7  }
0x10: {  	[smem:$0x3FB6] =	sst s8  }
0x11: {  	[smem:$0x3FB7] =	sst s9;
	s0 =	simm.s32 @!p0 $0x0  }
0x12: {  	s1 =	sld [smem:$0x3F9D];
	s0 =	simm.s32 @p0 $0x1  }
0x13: {  	[smem:$0x3FB8] =	sst s0;
	s0 =	simm.s32 @!p1 $0x0  }
0x14: {  	s2 =	sld [smem:$0x3F9C];
	s0 =	simm.s32 @p1 $0x1  }
0x15: {  	[smem:$0x3FB9] =	sst s0;
	s0 =	simm.s32 @!p2 $0x0  }
0x16: {  	s3 =	sld [smem:$0x3FDB];
	s0 =	simm.s32 @p2 $0x1  }
0x17: {  	s4 =	simm.s32 $0x1BF5;
	[smem:$0x3FBB] =	sst s0  }
0x18: {  	s0 =	sld [smem:$0x3F9E];
	_ =	swait.ge [sflag:s4], $0x0  }
0x19: {  	s7 =	sld [smem:$0x3F9F]  }
0x1a: {  	s8 =	sadd.s32 $0xFFFFE003, lr  }
0x1b: {  	s9 =	sadd.s32 $0xFFFFFEF7, lr;
	s5 =	simm.s32 $0xFFFFFFFF;
	p2 =	slt.u32 s8, $0xFFFFF086  }
0x1c: {  	p1 =	slt.u32 s9, $0xF7A;
	s5 =	simm.s32 @!p2 $0x0  }
0x1d: {  	s5 =	simm.s32 @p1 $0x1;
	p0 =	seq.s32 s7, s2  }
0x1e: {  	s7 =	smul.u32 @!p0 $0xF7A, s2;
	p2 =	seq.s32 @!p0 s5, $0x0  }
0x1f: {  	s9 =	smul.u32 $0xF7A, s1;
	s8 =	simm.s32 @!p0 $0x1BF5;
	p2 =	por !p2, p0  }
0x20: {  	[sflag:s8] =	ssyncset.s32 @!p0 $0xFFFFF086;
	s6 =	sadd.s32 @!p0 s3, s7;
	s7 =	simm.s32 @!p0 $0x108  }
0x21: {  	s3 =	sadd.s32 s3, s9;
	s6 =	sadd.s32 @!p0 $0x88, s6;
	s7 =	simm.s32 @p2 $0x1082  }
0x22: {  	[simem:s7], [sflag:s8] =	dma.local @!p0 [hbm:s6], $0xF7A  }
0x23: {  	s9 =	sor.u32 $0xD0000000, s2;
	s6 =	simm.s32 $0x108;
	_ =	swait.ge @!p0 [sflag:s8], $0x0  }
0x24: {  	s3 =	sadd.s32 $0x88, s3;
	s6 =	simm.s32 @!p1 $0x1082;
	[sflag:s4] =	ssyncset.s32 $0xFFFFF086  }
0x25: {  	[simem:s6], [sflag:s4] =	dma.local [hbm:s3], $0xF7A  }
0x26: {  	[smem:$0x3F9F] =	sst s1;
	(tag) =	ssettag s2;
	_ =	strace s9  }
0x27: {  	s1 =	sld [smem:$0x3FAF]  }
0x28: {  	s2 =	sld [smem:$0x3FB0]  }
0x29: {  	s4 =	sld [smem:$0x3FB2]  }
0x2a: {  	p0 =	seq.s32 s5, $0x0;
	s5 =	sld [smem:$0x3FB3]  }
0x2b: {  	s6 =	sld [smem:$0x3FB4]  }
0x2c: {  	s7 =	sld [smem:$0x3FB5]  }
0x2d: {  	s3 =	simm.s32 $0x108;
	s8 =	sld [smem:$0x3FB6]  }
0x2e: {  	s3 =	simm.s32 @!p0 $0x1082;
	s9 =	sld [smem:$0x3FB7]  }
0x2f: {  	lr =	sadd.s32 s0, s3;
	s0 =	sld [smem:$0x3FAE]  }
0x30: {  	s3 =	sld [smem:$0x3FB1]  }
0x31: {  	[smem:$0x3FBA] =	sst s10  }
0x32: {  	s10 =	sld [smem:$0x3FB8];
	_ =	sdelay $0x3  }
0x33: {  	p0 =	seq.s32 s10, $0x1;
	s10 =	sld [smem:$0x3FBA];
	_ =	sdelay $0x3  }
0x34: {  	[smem:$0x3FBA] =	sst s10  }
0x35: {  	s10 =	sld [smem:$0x3FB9];
	_ =	sdelay $0x3  }
0x36: {  	p1 =	seq.s32 s10, $0x1;
	s10 =	sld [smem:$0x3FBA];
	_ =	sdelay $0x3  }
0x37: {  	[smem:$0x3FBA] =	sst s10  }
0x38: {  	s10 =	sld [smem:$0x3FBB]  }
0x39: {  	_ = 	snop;
	(pc) =	sbr.ind lr, $3  }
0x3a: {  	_ = 	snop  }
0x3b: {  	_ = 	snop  }
0x3c: {  	p2 =	seq.s32 s10, $0x1;
	s10 =	sld [smem:$0x3FBA]  }
0x3d: {  	_ =	shalt  }
0x3e: {  	_ =	shalt  }
0x3f: {  	_ =	shalt  }
0x40: {  	_ =	shalt  }
0x41: {  	_ =	shalt  }
0x42: {  	_ =	shalt  }
0x43: {  	_ =	shalt  }
0x44: {  	_ =	shalt  }
0x45: {  	_ =	shalt  }
0x46: {  	_ =	shalt  }
0x47: {  	_ =	shalt  }
0x48: {  	_ =	shalt  }
0x49: {  	_ =	shalt  }
0x4a: {  	_ =	shalt  }
0x4b: {  	_ =	shalt  }
0x4c: {  	_ =	shalt  }
0x4d: {  	_ =	shalt  }
0x4e: {  	_ =	shalt  }
0x4f: {  	_ =	shalt  }
0x50: {  	_ =	shalt  }
0x51: {  	_ =	shalt  }
0x52: {  	_ =	shalt  }
0x53: {  	_ =	shalt  }
0x54: {  	_ =	shalt  }
0x55: {  	_ =	shalt  }
0x56: {  	_ =	shalt  }
0x57: {  	_ =	shalt  }
0x58: {  	_ =	shalt  }
0x59: {  	_ =	shalt  }
0x5a: {  	_ =	shalt  }
0x5b: {  	_ =	shalt  }
0x5c: {  	_ =	shalt  }
0x5d: {  	_ =	shalt  }
0x5e: {  	_ =	shalt  }
0x5f: {  	_ =	shalt  }
0x60: {  	_ =	shalt  }
0x61: {  	_ =	shalt  }
0x62: {  	_ =	shalt  }
0x63: {  	_ =	shalt  }
0x64: {  	_ =	shalt  }
0x65: {  	_ =	shalt  }
0x66: {  	_ =	shalt  }
0x67: {  	_ =	shalt  }
0x68: {  	_ =	shalt  }
0x69: {  	_ =	shalt  }
0x6a: {  	_ =	shalt  }
0x6b: {  	_ =	shalt  }
0x6c: {  	_ =	shalt  }
0x6d: {  	_ =	shalt  }
0x6e: {  	_ =	shalt  }
0x6f: {  	_ =	shalt  }
0x70: {  	_ =	shalt  }
0x71: {  	_ =	shalt  }
0x72: {  	_ =	shalt  }
0x73: {  	_ =	shalt  }
0x74: {  	_ =	shalt  }
0x75: {  	_ =	shalt  }
0x76: {  	_ =	shalt  }
0x77: {  	_ =	shalt  }
0x78: {  	_ =	shalt  }
0x79: {  	_ =	shalt  }
0x7a: {  	_ =	shalt  }
0x7b: {  	_ =	shalt  }
0x7c: {  	_ =	shalt  }
0x7d: {  	_ =	shalt  }
0x7e: {  	_ =	shalt  }
0x7f: {  	_ =	shalt  }
0x80: {  	_ =	shalt  }
0x81: {  	_ =	shalt  }
0x82: {  	_ =	shalt  }
0x83: {  	_ =	shalt  }
0x84: {  	_ =	shalt  }
0x85: {  	_ =	shalt  }
0x86: {  	_ =	shalt  }
0x87: {  	_ =	shalt  }
.Lfunc_end0:
.L_simem_size_0:
called_computation_lowered:
.L_overlay_start_0:
0x88: {  	s2 =	sld [smem:$0x3FD9]  }
0x89: {  	s3 =	sld [smem:$0x3FFE];
	_ =	sdelay $0x1  }
0x8a: {  	s1 =	srdreg.scid  }
0x8b: {  	s0 =	sand.u32 $0x1, s1  }
0x8c: {  	s17 =	sshll.u32 s0, $0xA;
	s2 =	sadd.s32 s3, s2  }
0x8d: {  	s2 =	sadd.s32 s2, s17  }
0x8e: {  	[smem:$0x3FC6] =	sst s2  }
0x8f: {  	_ = 	snop  }
0x90: {  	s2 =	sld [smem:$0x3FD0];
	(tm) =	ssettm $0x1  }
0x91: {  	s18 =	sld [smem:$0x3FFB];
	_ =	sdelay $0x3  }
0x92: {  	_ =	strace s18  }
0x93: {  	s3 =	sld [smem:$0x3FFC];
	_ =	sdelay $0x3  }
0x94: {  	_ =	strace s3  }
0x95: {  	s3 =	sld [smem:$0x3FFD];
	_ =	sdelay $0x3  }
0x96: {  	_ =	strace s3  }
0x97: {  	_ =	strace $0x8FFFFFFF  }
0x98: {  	s19 =	sld [smem:$0x3FDB];
	_ =	sdelay $0x1  }
0x99: {  	s4 =	simm.s32 $_scs_section_size  }
0x9a: {  	s5 =	simm.s32 $_size__tile_overlayer_lowered;
	s6 =	simm.s32 $_tile_overlayer_lowered  }
0x9b: {  	s22 =	simm.s32 $0x1BFF;
	s21 =	sshll.u32 s6, $0x1;
	s3 =	sadd.s32 s4, s19  }
0x9c: {  	s7 =	simm.s32 $0x0;
	s20 =	sshll.u32 s5, $0x1;
	s5 =	sadd.s32 s21, s3  }
0x9d: {  	[timem:s7], [sflag:s22] =	dma.local [hbm:s5], s20  }
0x9e: {  	_ =	swait.ge [sflag:s22], s20  }
0x9f: {  	s4 =	ssub.s32 $0x0, s20;
	[sflag:s22] =	ssyncset.done $0x0  }
0xa0: {  	[sflag:s22] =	ssyncadd.s32 s4;
	_ =	sdelay $0x1  }
0xa1: {  	s23 =	simm.s32 $0x1B8B  }
0xa2: {  	_ =	swait.ge [sflag:s23], $0x1  }
0xa3: {  	[sflag:s23] =	ssyncset.done $0x0  }
0xa4: {  	s25 =	simm.s32 $0x1B8E;
	s24 =	sld [smem:$0x3FFE];
	[sflag:s23] =	ssyncadd.s32 $0xFFFFFFFF  }
0xa5: {  	s26 =	simm.s32 $execute0_lowered;
	[smem:$0x3FD2] =	sst s25  }
0xa6: {  	s5 =	sshll.u32 s26, $0x1;
	_ =	strace $0x80000046;
	[dreg:$0x1] =	wrdreg $0xFFFFFFFF  }
0xa7: {  	s28 =	simm.s32 $_size_execute0_lowered;
	s3 =	sadd.s32 s3, s5;
	[dreg:$0x0] =	wrdreg $0x0  }
0xa8: {  	s5 =	sshll.u32 s28, $0x1;
	[dreg:$0x2] =	wrdreg s3  }
0xa9: {  	[dreg:$0x3] =	wrdreg s5  }
0xaa: {  	[dreg:$0x4] =	wrdreg $0xC0  }
0xab: {  	_ =	task [dreg:s7], $0x5FFFF  }
0xac: {  	[dreg:$0x1] =	wrdreg $0xFFFFFFFF  }
0xad: {  	[dreg:$0x0] =	wrdreg $0x60  }
0xae: {  	[dreg:$0x2] =	wrdreg s24  }
0xaf: {  	[dreg:$0x3] =	wrdreg s2  }
0xb0: {  	[dreg:$0x4] =	wrdreg $0x9  }
0xb1: {  	_ =	task.clear_ibuf [dreg:s7], $0x5FFFF;
	_ =	strace $0x90000046  }
0xb2: {  	s29 =	simm.s32 $0x9;
	_ =	strace $0x80000048  }
0xb3: {  	_ =	swait.ge [sflag:s29], $0x1  }
0xb4: {  	[sflag:s29] =	ssyncadd.s32 $0xFFFFFFFF  }
0xb5: {  	_ =	strace $0x90000048  }
0xb6: {  	_ =	sfence  }
0xb7: {  	s30 =	sld [smem:$0x0];
	_ =	sdelay $0x2  }
0xb8: {  	s31 =	sshll.u32 s1, $0xD;
	s1 =	sshrl.u32 s1, $0x2  }
0xb9: {  	s3 =	sand.u32 $0x4000, s31;
	s1 =	sadd.s32 s1, s30  }
0xba: {  	s0 =	sor.u32 s3, s0;
	s1 =	sshll.u32 s1, $0x11  }
0xbb: {  	s0 =	sor.u32 s1, s0  }
0xbc: {  	s0 =	sadd.s32 $0x8F2B, s0  }
0xbd: {  	[sflag:s0] =	ssyncadd.remote.s32 $0x1  }
0xbe: {  	_ =	sfence.sel $0xFFFF  }
0xbf: {  	[dreg:$0x0] =	wrdreg $0xFFFFFFFF;
	(pc) =	sbr.abs _section_cstart, $3  }
0xc0: {  	[dreg:$0x1] =	wrdreg $0xFFFFFFFF  }
0xc1: {  	_ =	task.clear_ibuf [dreg:s7], $0x2FFFF;
	_ =	strace $0x9FFFFFFF  }
0xc2: {  	(tm) =	ssettm $0x7FFFFFFF  }
0xc3: {  	_ =	shalt  }
tec
execute0_lowered:
.L_overlay_start_1:
0x0: {  	(tag) =	ssettag $0x1  }
0x1: {  	s1 =	srdreg.scid;
	s4 =	rddreg [dreg:$0x0]  }
0x2: {  	s0 =	stileid.u32;
	s2 =	rddreg [dreg:$0x1];
	s8 =	simm.s32 $0x7  }
0x3: {  	s9 =	simm.s32 $0x80;
	s10 =	simm.s32 $0x6400;
	s11 =	simm.s32 $0x7400  }
0x4: {  	s13 =	simm.s32 $0x8400;
	s14 =	simm.s32 $0x180;
	s15 =	simm.s32 $0x9400  }
0x5: {  	s16 =	simm.s32 $0x1;
	s17 =	simm.s32 $0xA400;
	s18 =	simm.s32 $0x400  }
0x6: {  	s19 =	simm.s32 $0x20000;
	s20 =	simm.s32 $0x2;
	s21 =	simm.s32 $0xB400  }
0x7: {  	v0 =	vlaneseq.u32;
	s22 =	simm.s32 $0x3;
	s23 =	simm.s32 $0x5;
	s24 =	simm.s32 $0x4  }
0x8: {  	s25 =	simm.s32 $0x6;
	s1 =	sand.u32 $0x1, s1;
	s3 =	sshll.u32 s0, $0x1;
	v1 =	vmul.u32 $0x20, v0  }
.Ltmp0:
0x9: {  	s26 =	simm.s32 $0x0;
	v2 =	vand.u32 $0x7, v0;
	v4 =	vor.u32 $0x10, v0;
	v6 =	vor.u32 $0x20, v0;
	s5 =	sor.u32 s1, s3;
	(pc) =	sbr.rel .LBB2_1-.Ltmp0, $4  }
0xa: {  	v8 =	vor.u32 $0x30, v0;
	v10 =	vor.u32 $0x40, v0;
	v12 =	vor.u32 $0x50, v0;
	s3 =	simm.s32 $0x0;
	s1 =	ssub.s32 $0x2, s1;
	s6 =	smul.u32 $0xC80, s5  }
0xb: {  	v14 =	vor.u32 $0x60, v0;
	v16 =	vor.u32 $0x70, v0;
	[smem:$0x7FF] =	sst s3;
	s7 =	sshrl.u32 s1, $0x1;
	s5 =	smul.u32 $0xC8, s5;
	v3 =	vor.u32 $0x200, v1  }
0xc: {  	v5 =	vor.u32 $0x400, v1;
	v7 =	vor.u32 $0x600, v1;
	v9 =	vor.u32 $0x800, v1;
	_ =	strace $0x80000047;
	s1 =	ssub.s32 s1, s7;
	s6 =	sadd.s32 s6, s4  }
0xd: {  	v11 =	vor.u32 $0xA00, v1;
	v13 =	vor.u32 $0xC00, v1;
	v15 =	vor.u32 $0xE00, v1;
	s4 =	sadd.s32 $0xF42A00, s4;
	s7 =	smax.u32 s1, $0x1;
	s6 =	sadd.s32 $0x600, s6  }
.LBB2_12:
0xe: {  	s26 =	sadd.s32 $0x1, s26  }
0xf: {  	_ =	swait.ge [sflag:s23], $0x1000;
	p0 =	sne.s32 s26, s7  }
.Ltmp1:
0x10: {  	[sflag:s23] =	ssyncset.done $0x0;
	(pc) =	sbr.rel @!p0 .LBB2_13-.Ltmp1, $4  }
0x11: {  	[sflag:s23] =	ssyncadd.s32 $0xFFFFF000  }
0x12: {  	_ =	swait.ge [sflag:s25], $0x1000  }
0x13: {  	[sflag:s25] =	ssyncset.done $0x0  }
0x14: {  	[sflag:s25] =	ssyncadd.s32 $0xFFFFF000  }
.LBB2_1:
0x15: {  	[tilespmem:s3], [sflag:$0x7] =	stream.linear.gather [hbm4b:s6+s3], $0x6400, $0x38;
	[tilespmem:$0xC400] =	vst v63  }
0x16: {  	_ =	swait.ge [sflag:s8], $0x6400  }
0x17: {  	[sflag:s8] =	ssyncset.done $0x0  }
0x18: {  	[sflag:s8] =	ssyncadd.s32 $0xFFFF9C00  }
0x19: {  	[tilespmem:s10], [sflag:$0x1] =	stream.indirect.gather [hbm4b:s4+s9], $0x20, s3, s9, $0xb8;
	[tilespmem:$0xC400] =	vst v63  }
0x1a: {  	_ = 	snop  }
0x1b: {  	[tilespmem:s11], [sflag:$0x2] =	stream.indirect.gather [hbm4b:s4+s9], $0x20, s9, s9, $0xb8;
	[tilespmem:$0xC400] =	vst v63  }
0x1c: {  	s0 =	simm.s32 $0x100  }
0x1d: {  	[tilespmem:s13], [sflag:$0x3] =	stream.indirect.gather [hbm4b:s4+s9], $0x20, s0, s9, $0xb8;
	[tilespmem:$0xC400] =	vst v63  }
0x1e: {  	s28 =	simm.s32 $0x0  }
0x1f: {  	[tilespmem:s15], [sflag:$0x4] =	stream.indirect.gather [hbm4b:s4+s9], $0x20, s14, s9, $0xb8;
	[tilespmem:$0xC400] =	vst v63  }
.LBB2_2:
0x20: {  	s1 =	simm.s32 $0x0  }
0x21: {  	v17 =	vadd.s32 s1, v0  }
0x22: {  	_ =	swait.ge [sflag:s16], $0x1000;
	v18 =	vand.u32 $0xF, v17  }
0x23: {  	p1 =	seq.s32 s28, $0x0;
	[sflag:s16] =	ssyncset.done $0x0;
	v19 =	vor.u32 v1, v18  }
0x24: {  	s1 =	simm.s32 @!p1 $0x5;
	[sflag:s16] =	ssyncadd.s32 $0xFFFFF000  }
0x25: {  	v20 =	vshll.u32 v17, $0x7;
	_ =	swait.ge @!p1 [sflag:s1], $0x1000  }
0x26: {  	v21 =	vor.u32 v0, v20;
	v22 =	vand.u32 $0x400, v20;
	[sflag:s1] =	ssyncset.done @!p1 $0x0  }
0x27: {  	v21 =	vand.u32 $0x388, v21;
	v22 =	vor.u32 v2, v22;
	[sflag:s1] =	ssyncadd.s32 @!p1 $0xFFFFF000  }
0x28: {  	v23 =	vor.u32 v21, v22;
	v19 =	vld.idx.msk [tilespmem:v19+s10+$0x0], $0xffff  }
0x29: {  	v24 =	vor.u32 v3, v18;
	_ =	sdelay $0x2  }
0x2a: {  	v25 =	vor.u32 v4, v20  }
0x2b: {  	[tilespmem:v23+s17+$0x0] =	vst.idx.msk $0xffff, v19;
	v23 =	vand.u32 $0x398, v25  }
0x2c: {  	v19 =	vld.idx.msk [tilespmem:v24+s10+$0x0], $0xffff;
	v46 =	vor.u32 v23, v22  }
0x2d: {  	v47 =	vor.u32 v5, v18;
	_ =	sdelay $0x2  }
0x2e: {  	v26 =	vor.u32 v6, v20  }
0x2f: {  	v48 =	vand.u32 $0x3A8, v26;
	[tilespmem:v46+s17+$0x0] =	vst.idx.msk $0xffff, v19  }
0x30: {  	v49 =	vor.u32 v48, v22;
	v19 =	vld.idx.msk [tilespmem:v47+s10+$0x0], $0xffff  }
0x31: {  	v50 =	vor.u32 v7, v18;
	_ =	sdelay $0x2  }
0x32: {  	v27 =	vor.u32 v8, v20  }
0x33: {  	v51 =	vand.u32 $0x3B8, v27;
	[tilespmem:v49+s17+$0x0] =	vst.idx.msk $0xffff, v19  }
0x34: {  	v52 =	vor.u32 v51, v22;
	v19 =	vld.idx.msk [tilespmem:v50+s10+$0x0], $0xffff  }
0x35: {  	v53 =	vor.u32 v9, v18;
	_ =	sdelay $0x2  }
0x36: {  	v28 =	vor.u32 v10, v20  }
0x37: {  	v54 =	vand.u32 $0x3C8, v28;
	[tilespmem:v52+s17+$0x0] =	vst.idx.msk $0xffff, v19  }
0x38: {  	v55 =	vor.u32 v54, v22;
	v19 =	vld.idx.msk [tilespmem:v53+s10+$0x0], $0xffff  }
0x39: {  	v56 =	vor.u32 v11, v18;
	_ =	sdelay $0x2  }
0x3a: {  	v29 =	vor.u32 v12, v20  }
0x3b: {  	v57 =	vand.u32 $0x3D8, v29;
	[tilespmem:v55+s17+$0x0] =	vst.idx.msk $0xffff, v19  }
0x3c: {  	v58 =	vor.u32 v57, v22;
	v19 =	vld.idx.msk [tilespmem:v56+s10+$0x0], $0xffff  }
0x3d: {  	v59 =	vor.u32 v13, v18;
	_ =	sdelay $0x2  }
0x3e: {  	v30 =	vor.u32 v14, v20  }
0x3f: {  	v60 =	vand.u32 $0x3E8, v30;
	[tilespmem:v58+s17+$0x0] =	vst.idx.msk $0xffff, v19  }
0x40: {  	v61 =	vor.u32 v60, v22;
	v19 =	vld.idx.msk [tilespmem:v59+s10+$0x0], $0xffff  }
0x41: {  	v62 =	vor.u32 v15, v18;
	_ =	sdelay $0x2  }
0x42: {  	v18 =	vor.u32 v16, v20  }
0x43: {  	v17 =	vor.u32 $0x10, v17;
	v18 =	vand.u32 $0x3F8, v18;
	[tilespmem:v61+s17+$0x0] =	vst.idx.msk $0xffff, v19  }
0x44: {  	v20 =	vor.u32 v18, v22;
	v22 =	vand.u32 $0x1F, v17;
	v19 =	vld.idx.msk [tilespmem:v62+s10+$0x0], $0xffff  }
0x45: {  	v63 =	vor.u32 v1, v22;
	_ =	sdelay $0x1  }
0x46: {  	v17 =	vshll.u32 v17, $0x7  }
0x47: {  	v17 =	vand.u32 $0xC00, v17  }
0x48: {  	[tilespmem:v20+s17+$0x0] =	vst.idx.msk $0xffff, v19;
	v19 =	vor.u32 v2, v17  }
0x49: {  	v17 =	vld.idx.msk [tilespmem:v63+s10+$0x0], $0xffff;
	v20 =	vor.u32 v21, v19  }
0x4a: {  	v21 =	vor.u32 v3, v22;
	_ =	sdelay $0x3  }
0x4b: {  	[tilespmem:v20+s17+$0x0] =	vst.idx.msk $0xffff, v17  }
0x4c: {  	v20 =	vor.u32 v23, v19;
	v17 =	vld.idx.msk [tilespmem:v21+s10+$0x0], $0xffff  }
0x4d: {  	v21 =	vor.u32 v5, v22;
	_ =	sdelay $0x3  }
0x4e: {  	[tilespmem:v20+s17+$0x0] =	vst.idx.msk $0xffff, v17  }
0x4f: {  	v20 =	vor.u32 v48, v19;
	v17 =	vld.idx.msk [tilespmem:v21+s10+$0x0], $0xffff  }
0x50: {  	v21 =	vor.u32 v7, v22;
	_ =	sdelay $0x3  }
0x51: {  	[tilespmem:v20+s17+$0x0] =	vst.idx.msk $0xffff, v17  }
0x52: {  	v20 =	vor.u32 v51, v19;
	v17 =	vld.idx.msk [tilespmem:v21+s10+$0x0], $0xffff  }
0x53: {  	v21 =	vor.u32 v9, v22;
	_ =	sdelay $0x3  }
0x54: {  	[tilespmem:v20+s17+$0x0] =	vst.idx.msk $0xffff, v17  }
0x55: {  	v20 =	vor.u32 v54, v19;
	v17 =	vld.idx.msk [tilespmem:v21+s10+$0x0], $0xffff  }
0x56: {  	v21 =	vor.u32 v11, v22;
	_ =	sdelay $0x3  }
0x57: {  	[tilespmem:v20+s17+$0x0] =	vst.idx.msk $0xffff, v17  }
0x58: {  	v20 =	vor.u32 v57, v19;
	v17 =	vld.idx.msk [tilespmem:v21+s10+$0x0], $0xffff  }
0x59: {  	v21 =	vor.u32 v13, v22;
	_ =	sdelay $0x3  }
0x5a: {  	[tilespmem:v20+s17+$0x0] =	vst.idx.msk $0xffff, v17  }
0x5b: {  	v20 =	vor.u32 v60, v19;
	v17 =	vld.idx.msk [tilespmem:v21+s10+$0x0], $0xffff  }
0x5c: {  	v21 =	vor.u32 v15, v22;
	_ =	sdelay $0x3  }
0x5d: {  	s29 =	sshll.u32 s28, $0x2;
	s12 =	simm.s32 $0x1;
	[tilespmem:v20+s17+$0x0] =	vst.idx.msk $0xffff, v17  }
0x5e: {  	s31 =	simm.s32 $0x2;
	s30 =	sadd.s32 s5, s29;
	v17 =	vadd.s32 s12, v0;
	v20 =	vld.idx.msk [tilespmem:v21+s10+$0x0], $0xffff  }
.LBB2_3:
0x5f: {  	p0 =	sne.s32 s31, $0xF;
	v21 =	vand.u32 $0xF, v17;
	v18 =	vor.u32 v18, v19  }
0x60: {  	v19 =	vor.u32 v1, v21;
	_ =	sdelay $0x2  }
0x61: {  	v22 =	vshll.u32 v17, $0x7  }
0x62: {  	v23 =	vor.u32 v0, v22;
	v24 =	vand.u32 $0x400, v22;
	[tilespmem:v18+s17+$0x0] =	vst.idx.msk $0xffff, v20  }
0x63: {  	v20 =	vand.u32 $0x388, v23;
	v18 =	vld.idx.msk [tilespmem:v19+s10+$0x0], $0xffff;
	v19 =	vor.u32 v2, v24  }
0x64: {  	v23 =	vor.u32 v20, v19  }
0x65: {  	v24 =	vor.u32 v3, v21;
	_ =	sdelay $0x3  }
0x66: {  	[tilespmem:v23+s17+$0x0] =	vst.idx.msk $0xffff, v18;
	v18 =	vor.u32 v4, v22  }
0x67: {  	v23 =	vld.idx.msk [tilespmem:v24+s10+$0x0], $0xffff;
	v24 =	vand.u32 $0x398, v18  }
0x68: {  	v18 =	vor.u32 v24, v19  }
0x69: {  	v25 =	vor.u32 v5, v21;
	_ =	sdelay $0x3  }
0x6a: {  	[tilespmem:v18+s17+$0x0] =	vst.idx.msk $0xffff, v23;
	v18 =	vor.u32 v6, v22  }
0x6b: {  	v23 =	vld.idx.msk [tilespmem:v25+s10+$0x0], $0xffff;
	v25 =	vand.u32 $0x3A8, v18  }
0x6c: {  	v18 =	vor.u32 v25, v19  }
0x6d: {  	v26 =	vor.u32 v7, v21;
	_ =	sdelay $0x3  }
0x6e: {  	[tilespmem:v18+s17+$0x0] =	vst.idx.msk $0xffff, v23;
	v18 =	vor.u32 v8, v22  }
0x6f: {  	v23 =	vld.idx.msk [tilespmem:v26+s10+$0x0], $0xffff;
	v26 =	vand.u32 $0x3B8, v18  }
0x70: {  	v18 =	vor.u32 v26, v19  }
0x71: {  	v27 =	vor.u32 v9, v21;
	_ =	sdelay $0x3  }
0x72: {  	[tilespmem:v18+s17+$0x0] =	vst.idx.msk $0xffff, v23;
	v18 =	vor.u32 v10, v22  }
0x73: {  	v23 =	vld.idx.msk [tilespmem:v27+s10+$0x0], $0xffff;
	v27 =	vand.u32 $0x3C8, v18  }
0x74: {  	v18 =	vor.u32 v27, v19  }
0x75: {  	v28 =	vor.u32 v11, v21;
	_ =	sdelay $0x3  }
0x76: {  	[tilespmem:v18+s17+$0x0] =	vst.idx.msk $0xffff, v23;
	v18 =	vor.u32 v12, v22  }
0x77: {  	v23 =	vld.idx.msk [tilespmem:v28+s10+$0x0], $0xffff;
	v28 =	vand.u32 $0x3D8, v18  }
0x78: {  	v18 =	vor.u32 v28, v19  }
0x79: {  	v29 =	vor.u32 v13, v21;
	_ =	sdelay $0x3  }
0x7a: {  	[tilespmem:v18+s17+$0x0] =	vst.idx.msk $0xffff, v23;
	v18 =	vor.u32 v14, v22  }
0x7b: {  	v23 =	vld.idx.msk [tilespmem:v29+s10+$0x0], $0xffff;
	v29 =	vand.u32 $0x3E8, v18  }
0x7c: {  	v18 =	vor.u32 v29, v19  }
0x7d: {  	v21 =	vor.u32 v15, v21;
	_ =	sdelay $0x3  }
0x7e: {  	[tilespmem:v18+s17+$0x0] =	vst.idx.msk $0xffff, v23;
	v18 =	vor.u32 v16, v22  }
0x7f: {  	v17 =	vor.u32 $0x10, v17;
	v21 =	vld.idx.msk [tilespmem:v21+s10+$0x0], $0xffff;
	v18 =	vand.u32 $0x3F8, v18  }
0x80: {  	v22 =	vand.u32 $0x1F, v17;
	v19 =	vor.u32 v18, v19  }
0x81: {  	v23 =	vor.u32 v1, v22;
	_ =	sdelay $0x2  }
0x82: {  	v17 =	vshll.u32 v17, $0x7  }
0x83: {  	v17 =	vand.u32 $0xC00, v17;
	[tilespmem:v19+s17+$0x0] =	vst.idx.msk $0xffff, v21  }
0x84: {  	v19 =	vor.u32 v2, v17;
	v21 =	vld.idx.msk [tilespmem:v23+s10+$0x0], $0xffff  }
0x85: {  	v17 =	vor.u32 v20, v19  }
0x86: {  	v20 =	vor.u32 v3, v22;
	_ =	sdelay $0x3  }
0x87: {  	[tilespmem:v17+s17+$0x0] =	vst.idx.msk $0xffff, v21  }
0x88: {  	v17 =	vld.idx.msk [tilespmem:v20+s10+$0x0], $0xffff  }
0x89: {  	v20 =	vor.u32 v24, v19  }
0x8a: {  	v21 =	vor.u32 v5, v22;
	_ =	sdelay $0x3  }
0x8b: {  	[tilespmem:v20+s17+$0x0] =	vst.idx.msk $0xffff, v17  }
0x8c: {  	v17 =	vld.idx.msk [tilespmem:v21+s10+$0x0], $0xffff  }
0x8d: {  	v20 =	vor.u32 v25, v19  }
0x8e: {  	v21 =	vor.u32 v7, v22;
	_ =	sdelay $0x3  }
0x8f: {  	[tilespmem:v20+s17+$0x0] =	vst.idx.msk $0xffff, v17  }
0x90: {  	v17 =	vld.idx.msk [tilespmem:v21+s10+$0x0], $0xffff  }
0x91: {  	v20 =	vor.u32 v26, v19  }
0x92: {  	v21 =	vor.u32 v9, v22;
	_ =	sdelay $0x3  }
0x93: {  	[tilespmem:v20+s17+$0x0] =	vst.idx.msk $0xffff, v17  }
0x94: {  	v17 =	vld.idx.msk [tilespmem:v21+s10+$0x0], $0xffff  }
0x95: {  	v20 =	vor.u32 v27, v19  }
0x96: {  	v21 =	vor.u32 v11, v22;
	_ =	sdelay $0x3  }
0x97: {  	[tilespmem:v20+s17+$0x0] =	vst.idx.msk $0xffff, v17  }
0x98: {  	v17 =	vld.idx.msk [tilespmem:v21+s10+$0x0], $0xffff  }
0x99: {  	v20 =	vor.u32 v28, v19  }
0x9a: {  	v21 =	vor.u32 v13, v22;
	_ =	sdelay $0x3  }
0x9b: {  	[tilespmem:v20+s17+$0x0] =	vst.idx.msk $0xffff, v17  }
0x9c: {  	v17 =	vld.idx.msk [tilespmem:v21+s10+$0x0], $0xffff  }
0x9d: {  	v20 =	vor.u32 v29, v19  }
0x9e: {  	v21 =	vor.u32 v15, v22  }
.Ltmp2:
0x9f: {  	(pc) =	sbr.rel @p0 .LBB2_3-.Ltmp2, $3  }
0xa0: {  	_ =	sdelay $0x1  }
0xa1: {  	[tilespmem:v20+s17+$0x0] =	vst.idx.msk $0xffff, v17  }
0xa2: {  	v17 =	vadd.s32 s31, v0;
	s31 =	sadd.s32 $0x1, s31;
	v20 =	vld.idx.msk [tilespmem:v21+s10+$0x0], $0xffff  }
0xa3: {  	v21 =	vand.u32 $0xF, v17;
	v18 =	vor.u32 v18, v19  }
0xa4: {  	v19 =	vor.u32 v1, v21;
	_ =	sdelay $0x1  }
0xa5: {  	v22 =	vshll.u32 v17, $0x7  }
0xa6: {  	v23 =	vor.u32 v0, v22;
	v24 =	vand.u32 $0x400, v22  }
0xa7: {  	[tilespmem:v18+s17+$0x0] =	vst.idx.msk $0xffff, v20;
	v18 =	vand.u32 $0x388, v23;
	v20 =	vor.u32 v2, v24  }
0xa8: {  	v19 =	vld.idx.msk [tilespmem:v19+s10+$0x0], $0xffff;
	v23 =	vor.u32 v18, v20  }
0xa9: {  	v52 =	vor.u32 v3, v21;
	_ =	sdelay $0x2  }
0xaa: {  	v25 =	vor.u32 v4, v22  }
0xab: {  	[tilespmem:v23+s17+$0x0] =	vst.idx.msk $0xffff, v19;
	v19 =	vand.u32 $0x398, v25  }
0xac: {  	v23 =	vld.idx.msk [tilespmem:v52+s10+$0x0], $0xffff;
	v53 =	vor.u32 v19, v20  }
0xad: {  	v54 =	vor.u32 v5, v21;
	_ =	sdelay $0x2  }
0xae: {  	v26 =	vor.u32 v6, v22  }
0xaf: {  	[tilespmem:v53+s17+$0x0] =	vst.idx.msk $0xffff, v23;
	v23 =	vand.u32 $0x3A8, v26  }
0xb0: {  	v24 =	vld.idx.msk [tilespmem:v54+s10+$0x0], $0xffff;
	v55 =	vor.u32 v23, v20  }
0xb1: {  	v56 =	vor.u32 v7, v21;
	_ =	sdelay $0x2  }
0xb2: {  	v27 =	vor.u32 v8, v22  }
0xb3: {  	v57 =	vand.u32 $0x3B8, v27;
	[tilespmem:v55+s17+$0x0] =	vst.idx.msk $0xffff, v24  }
0xb4: {  	v58 =	vor.u32 v57, v20;
	v25 =	vld.idx.msk [tilespmem:v56+s10+$0x0], $0xffff  }
0xb5: {  	v59 =	vor.u32 v9, v21;
	_ =	sdelay $0x2  }
0xb6: {  	v28 =	vor.u32 v10, v22  }
0xb7: {  	v60 =	vand.u32 $0x3C8, v28;
	[tilespmem:v58+s17+$0x0] =	vst.idx.msk $0xffff, v25  }
0xb8: {  	v61 =	vor.u32 v60, v20;
	v26 =	vld.idx.msk [tilespmem:v59+s10+$0x0], $0xffff  }
0xb9: {  	v62 =	vor.u32 v11, v21;
	_ =	sdelay $0x2  }
0xba: {  	v29 =	vor.u32 v12, v22  }
0xbb: {  	v63 =	vand.u32 $0x3D8, v29;
	[tilespmem:v61+s17+$0x0] =	vst.idx.msk $0xffff, v26  }
0xbc: {  	v33 =	vor.u32 v63, v20;
	v27 =	vld.idx.msk [tilespmem:v62+s10+$0x0], $0xffff  }
0xbd: {  	v34 =	vor.u32 v13, v21;
	_ =	sdelay $0x2  }
0xbe: {  	v30 =	vor.u32 v14, v22  }
0xbf: {  	v35 =	vand.u32 $0x3E8, v30;
	[tilespmem:v33+s17+$0x0] =	vst.idx.msk $0xffff, v27  }
0xc0: {  	v36 =	vor.u32 v35, v20;
	v28 =	vld.idx.msk [tilespmem:v34+s10+$0x0], $0xffff  }
0xc1: {  	v21 =	vor.u32 v15, v21;
	_ =	sdelay $0x2  }
0xc2: {  	v22 =	vor.u32 v16, v22  }
0xc3: {  	v17 =	vor.u32 $0x10, v17;
	v22 =	vand.u32 $0x3F8, v22;
	[tilespmem:v36+s17+$0x0] =	vst.idx.msk $0xffff, v28  }
0xc4: {  	v37 =	vand.u32 $0x1F, v17;
	v20 =	vor.u32 v22, v20;
	v21 =	vld.idx.msk [tilespmem:v21+s10+$0x0], $0xffff  }
0xc5: {  	v38 =	vor.u32 v1, v37;
	_ =	sdelay $0x1  }
0xc6: {  	v17 =	vshll.u32 v17, $0x7  }
0xc7: {  	v17 =	vand.u32 $0xC00, v17  }
0xc8: {  	v17 =	vor.u32 v2, v17;
	[tilespmem:v20+s17+$0x0] =	vst.idx.msk $0xffff, v21  }
0xc9: {  	v18 =	vor.u32 v18, v17;
	v20 =	vld.idx.msk [tilespmem:v38+s10+$0x0], $0xffff  }
0xca: {  	v21 =	vor.u32 v3, v37;
	_ =	sdelay $0x3  }
0xcb: {  	[tilespmem:v18+s17+$0x0] =	vst.idx.msk $0xffff, v20  }
0xcc: {  	v19 =	vor.u32 v19, v17;
	v18 =	vld.idx.msk [tilespmem:v21+s10+$0x0], $0xffff  }
0xcd: {  	v20 =	vor.u32 v5, v37;
	_ =	sdelay $0x3  }
0xce: {  	[tilespmem:v19+s17+$0x0] =	vst.idx.msk $0xffff, v18  }
0xcf: {  	v19 =	vor.u32 v23, v17;
	v18 =	vld.idx.msk [tilespmem:v20+s10+$0x0], $0xffff  }
0xd0: {  	v20 =	vor.u32 v7, v37;
	_ =	sdelay $0x3  }
0xd1: {  	[tilespmem:v19+s17+$0x0] =	vst.idx.msk $0xffff, v18  }
0xd2: {  	v19 =	vor.u32 v57, v17;
	v18 =	vld.idx.msk [tilespmem:v20+s10+$0x0], $0xffff  }
0xd3: {  	v20 =	vor.u32 v9, v37;
	_ =	sdelay $0x3  }
0xd4: {  	[tilespmem:v19+s17+$0x0] =	vst.idx.msk $0xffff, v18  }
0xd5: {  	v19 =	vor.u32 v60, v17;
	v18 =	vld.idx.msk [tilespmem:v20+s10+$0x0], $0xffff  }
0xd6: {  	v20 =	vor.u32 v11, v37;
	_ =	sdelay $0x3  }
0xd7: {  	[tilespmem:v19+s17+$0x0] =	vst.idx.msk $0xffff, v18  }
0xd8: {  	v19 =	vor.u32 v63, v17;
	v18 =	vld.idx.msk [tilespmem:v20+s10+$0x0], $0xffff  }
0xd9: {  	v20 =	vor.u32 v13, v37;
	_ =	sdelay $0x3  }
0xda: {  	[tilespmem:v19+s17+$0x0] =	vst.idx.msk $0xffff, v18  }
0xdb: {  	v19 =	vor.u32 v35, v17;
	v18 =	vld.idx.msk [tilespmem:v20+s10+$0x0], $0xffff  }
0xdc: {  	v20 =	vor.u32 v15, v37;
	_ =	sdelay $0x3  }
0xdd: {  	[tilespmem:v19+s17+$0x0] =	vst.idx.msk $0xffff, v18  }
0xde: {  	v17 =	vor.u32 v22, v17;
	v18 =	vld.idx.msk [tilespmem:v20+s10+$0x0], $0xffff;
	_ =	sdelay $0x1  }
0xdf: {  	s1 =	sshll.u32 s30, $0x7  }
0xe0: {  	s30 =	sshll.u32 s30, $0x9;
	s1 =	sand.u32 $0x3E00, s1  }
0xe1: {  	s30 =	sand.u32 $0xFFF0000, s30;
	s1 =	sadd.s32 s2, s1  }
0xe2: {  	p0 =	seq.s32 s28, $0x31;
	s1 =	sadd.s32 s30, s1;
	[tilespmem:v17+s17+$0x0] =	vst.idx.msk $0xffff, v18  }
0xe3: {  	[hbm4b:s1+s18] =	stream.strided.scatter [tilespmem:s17], [sflag:$0x5], $0x1000, s19, s18, $0x38;
	[tilespmem:$0xC400] =	vst v63  }
0xe4: {  	s1 =	sshll.u32 @!p0 s28, $0x9  }
0xe5: {  	s12 =	simm.s32 $0x0;
	s30 =	sand.u32 @!p0 $0x3FFFFE00, s1  }
0xe6: {  	s31 =	simm.s32 @!p0 $0x80;
	s0 =	simm.s32 @!p0 $0x6400;
	s1 =	sadd.s32 @!p0 $0x200, s30  }
0xe7: {  	v17 =	vadd.s32 s12, v0;
	[tilespmem:s0], [sflag:$0x1] =	stream.indirect.gather @!p0 [hbm4b:s4+s31], $0x20, s1, s31, $0xb8;
	[tilespmem:$0xC400] =	vst v63  }
0xe8: {  	v18 =	vand.u32 $0xF, v17;
	_ =	swait.ge [sflag:s20], $0x1000  }
0xe9: {  	v19 =	vor.u32 v1, v18;
	[sflag:s20] =	ssyncset.done $0x0  }
0xea: {  	s0 =	simm.s32 @!p1 $0x6;
	[sflag:s20] =	ssyncadd.s32 $0xFFFFF000  }
0xeb: {  	v20 =	vshll.u32 v17, $0x7;
	_ =	swait.ge @!p1 [sflag:s0], $0x1000  }
0xec: {  	v21 =	vor.u32 v0, v20;
	v22 =	vand.u32 $0x400, v20;
	[sflag:s0] =	ssyncset.done @!p1 $0x0  }
0xed: {  	v21 =	vand.u32 $0x388, v21;
	v22 =	vor.u32 v2, v22;
	[sflag:s0] =	ssyncadd.s32 @!p1 $0xFFFFF000  }
0xee: {  	v23 =	vor.u32 v21, v22;
	v19 =	vld.idx.msk [tilespmem:v19+s11+$0x0], $0xffff  }
0xef: {  	v39 =	vor.u32 v3, v18;
	_ =	sdelay $0x2  }
0xf0: {  	v40 =	vor.u32 v4, v20  }
0xf1: {  	[tilespmem:v23+s21+$0x0] =	vst.idx.msk $0xffff, v19;
	v23 =	vand.u32 $0x398, v40  }
0xf2: {  	v19 =	vld.idx.msk [tilespmem:v39+s11+$0x0], $0xffff;
	v41 =	vor.u32 v23, v22  }
0xf3: {  	v42 =	vor.u32 v5, v18;
	_ =	sdelay $0x2  }
0xf4: {  	v43 =	vor.u32 v6, v20  }
0xf5: {  	v44 =	vand.u32 $0x3A8, v43;
	[tilespmem:v41+s21+$0x0] =	vst.idx.msk $0xffff, v19  }
0xf6: {  	v45 =	vor.u32 v44, v22;
	v19 =	vld.idx.msk [tilespmem:v42+s11+$0x0], $0xffff  }
0xf7: {  	v46 =	vor.u32 v7, v18;
	_ =	sdelay $0x2  }
0xf8: {  	v47 =	vor.u32 v8, v20  }
0xf9: {  	v48 =	vand.u32 $0x3B8, v47;
	[tilespmem:v45+s21+$0x0] =	vst.idx.msk $0xffff, v19  }
0xfa: {  	v49 =	vor.u32 v48, v22;
	v19 =	vld.idx.msk [tilespmem:v46+s11+$0x0], $0xffff  }
0xfb: {  	v50 =	vor.u32 v9, v18;
	_ =	sdelay $0x2  }
0xfc: {  	v51 =	vor.u32 v10, v20  }
0xfd: {  	v52 =	vand.u32 $0x3C8, v51;
	[tilespmem:v49+s21+$0x0] =	vst.idx.msk $0xffff, v19  }
0xfe: {  	v53 =	vor.u32 v52, v22;
	v19 =	vld.idx.msk [tilespmem:v50+s11+$0x0], $0xffff  }
0xff: {  	v54 =	vor.u32 v11, v18;
	_ =	sdelay $0x2  }
0x100: {  	v55 =	vor.u32 v12, v20  }
0x101: {  	v56 =	vand.u32 $0x3D8, v55;
	[tilespmem:v53+s21+$0x0] =	vst.idx.msk $0xffff, v19  }
0x102: {  	v57 =	vor.u32 v56, v22;
	v19 =	vld.idx.msk [tilespmem:v54+s11+$0x0], $0xffff  }
0x103: {  	v58 =	vor.u32 v13, v18;
	_ =	sdelay $0x2  }
0x104: {  	v59 =	vor.u32 v14, v20  }
0x105: {  	v60 =	vand.u32 $0x3E8, v59;
	[tilespmem:v57+s21+$0x0] =	vst.idx.msk $0xffff, v19  }
0x106: {  	v61 =	vor.u32 v60, v22;
	v19 =	vld.idx.msk [tilespmem:v58+s11+$0x0], $0xffff  }
0x107: {  	v62 =	vor.u32 v15, v18;
	_ =	sdelay $0x2  }
0x108: {  	v18 =	vor.u32 v16, v20  }
0x109: {  	v17 =	vor.u32 $0x10, v17;
	v18 =	vand.u32 $0x3F8, v18;
	[tilespmem:v61+s21+$0x0] =	vst.idx.msk $0xffff, v19  }
0x10a: {  	v20 =	vor.u32 v18, v22;
	v22 =	vand.u32 $0x1F, v17;
	v19 =	vld.idx.msk [tilespmem:v62+s11+$0x0], $0xffff  }
0x10b: {  	v63 =	vor.u32 v1, v22;
	_ =	sdelay $0x1  }
0x10c: {  	v17 =	vshll.u32 v17, $0x7  }
0x10d: {  	v17 =	vand.u32 $0xC00, v17  }
0x10e: {  	[tilespmem:v20+s21+$0x0] =	vst.idx.msk $0xffff, v19;
	v19 =	vor.u32 v2, v17  }
0x10f: {  	v17 =	vld.idx.msk [tilespmem:v63+s11+$0x0], $0xffff;
	v20 =	vor.u32 v21, v19  }
0x110: {  	v21 =	vor.u32 v3, v22;
	_ =	sdelay $0x3  }
0x111: {  	[tilespmem:v20+s21+$0x0] =	vst.idx.msk $0xffff, v17  }
0x112: {  	v20 =	vor.u32 v23, v19;
	v17 =	vld.idx.msk [tilespmem:v21+s11+$0x0], $0xffff  }
0x113: {  	v21 =	vor.u32 v5, v22;
	_ =	sdelay $0x3  }
0x114: {  	[tilespmem:v20+s21+$0x0] =	vst.idx.msk $0xffff, v17  }
0x115: {  	v20 =	vor.u32 v44, v19;
	v17 =	vld.idx.msk [tilespmem:v21+s11+$0x0], $0xffff  }
0x116: {  	v21 =	vor.u32 v7, v22;
	_ =	sdelay $0x3  }
0x117: {  	[tilespmem:v20+s21+$0x0] =	vst.idx.msk $0xffff, v17  }
0x118: {  	v20 =	vor.u32 v48, v19;
	v17 =	vld.idx.msk [tilespmem:v21+s11+$0x0], $0xffff  }
0x119: {  	v21 =	vor.u32 v9, v22;
	_ =	sdelay $0x3  }
0x11a: {  	[tilespmem:v20+s21+$0x0] =	vst.idx.msk $0xffff, v17  }
0x11b: {  	v20 =	vor.u32 v52, v19;
	v17 =	vld.idx.msk [tilespmem:v21+s11+$0x0], $0xffff  }
0x11c: {  	v21 =	vor.u32 v11, v22;
	_ =	sdelay $0x3  }
0x11d: {  	[tilespmem:v20+s21+$0x0] =	vst.idx.msk $0xffff, v17  }
0x11e: {  	v20 =	vor.u32 v56, v19;
	v17 =	vld.idx.msk [tilespmem:v21+s11+$0x0], $0xffff  }
0x11f: {  	v21 =	vor.u32 v13, v22;
	_ =	sdelay $0x3  }
0x120: {  	[tilespmem:v20+s21+$0x0] =	vst.idx.msk $0xffff, v17  }
0x121: {  	v20 =	vor.u32 v60, v19;
	v17 =	vld.idx.msk [tilespmem:v21+s11+$0x0], $0xffff  }
0x122: {  	v21 =	vor.u32 v15, v22;
	_ =	sdelay $0x3  }
0x123: {  	s29 =	sadd.s32 s29, s5;
	s12 =	simm.s32 $0x1;
	[tilespmem:v20+s21+$0x0] =	vst.idx.msk $0xffff, v17  }
0x124: {  	s31 =	sadd.s32 $0x1, s29;
	s1 =	simm.s32 $0x2;
	v17 =	vadd.s32 s12, v0;
	v20 =	vld.idx.msk [tilespmem:v21+s11+$0x0], $0xffff  }
.LBB2_5:
0x125: {  	p1 =	sne.s32 s1, $0xF;
	v21 =	vand.u32 $0xF, v17;
	v18 =	vor.u32 v18, v19  }
0x126: {  	v19 =	vor.u32 v1, v21;
	_ =	sdelay $0x2  }
0x127: {  	v22 =	vshll.u32 v17, $0x7  }
0x128: {  	v23 =	vor.u32 v0, v22;
	v24 =	vand.u32 $0x400, v22;
	[tilespmem:v18+s21+$0x0] =	vst.idx.msk $0xffff, v20  }
0x129: {  	v20 =	vand.u32 $0x388, v23;
	v18 =	vld.idx.msk [tilespmem:v19+s11+$0x0], $0xffff;
	v19 =	vor.u32 v2, v24  }
0x12a: {  	v23 =	vor.u32 v20, v19  }
0x12b: {  	v24 =	vor.u32 v3, v21;
	_ =	sdelay $0x3  }
0x12c: {  	[tilespmem:v23+s21+$0x0] =	vst.idx.msk $0xffff, v18;
	v18 =	vor.u32 v4, v22  }
0x12d: {  	v23 =	vld.idx.msk [tilespmem:v24+s11+$0x0], $0xffff;
	v24 =	vand.u32 $0x398, v18  }
0x12e: {  	v18 =	vor.u32 v24, v19  }
0x12f: {  	v25 =	vor.u32 v5, v21;
	_ =	sdelay $0x3  }
0x130: {  	[tilespmem:v18+s21+$0x0] =	vst.idx.msk $0xffff, v23;
	v18 =	vor.u32 v6, v22  }
0x131: {  	v23 =	vld.idx.msk [tilespmem:v25+s11+$0x0], $0xffff;
	v25 =	vand.u32 $0x3A8, v18  }
0x132: {  	v18 =	vor.u32 v25, v19  }
0x133: {  	v26 =	vor.u32 v7, v21;
	_ =	sdelay $0x3  }
0x134: {  	[tilespmem:v18+s21+$0x0] =	vst.idx.msk $0xffff, v23;
	v18 =	vor.u32 v8, v22  }
0x135: {  	v23 =	vld.idx.msk [tilespmem:v26+s11+$0x0], $0xffff;
	v26 =	vand.u32 $0x3B8, v18  }
0x136: {  	v18 =	vor.u32 v26, v19  }
0x137: {  	v27 =	vor.u32 v9, v21;
	_ =	sdelay $0x3  }
0x138: {  	[tilespmem:v18+s21+$0x0] =	vst.idx.msk $0xffff, v23;
	v18 =	vor.u32 v10, v22  }
0x139: {  	v23 =	vld.idx.msk [tilespmem:v27+s11+$0x0], $0xffff;
	v27 =	vand.u32 $0x3C8, v18  }
0x13a: {  	v18 =	vor.u32 v27, v19  }
0x13b: {  	v28 =	vor.u32 v11, v21;
	_ =	sdelay $0x3  }
0x13c: {  	[tilespmem:v18+s21+$0x0] =	vst.idx.msk $0xffff, v23;
	v18 =	vor.u32 v12, v22  }
0x13d: {  	v23 =	vld.idx.msk [tilespmem:v28+s11+$0x0], $0xffff;
	v28 =	vand.u32 $0x3D8, v18  }
0x13e: {  	v18 =	vor.u32 v28, v19  }
0x13f: {  	v29 =	vor.u32 v13, v21;
	_ =	sdelay $0x3  }
0x140: {  	[tilespmem:v18+s21+$0x0] =	vst.idx.msk $0xffff, v23;
	v18 =	vor.u32 v14, v22  }
0x141: {  	v23 =	vld.idx.msk [tilespmem:v29+s11+$0x0], $0xffff;
	v29 =	vand.u32 $0x3E8, v18  }
0x142: {  	v18 =	vor.u32 v29, v19  }
0x143: {  	v21 =	vor.u32 v15, v21;
	_ =	sdelay $0x3  }
0x144: {  	[tilespmem:v18+s21+$0x0] =	vst.idx.msk $0xffff, v23;
	v18 =	vor.u32 v16, v22  }
0x145: {  	v17 =	vor.u32 $0x10, v17;
	v21 =	vld.idx.msk [tilespmem:v21+s11+$0x0], $0xffff;
	v18 =	vand.u32 $0x3F8, v18  }
0x146: {  	v22 =	vand.u32 $0x1F, v17;
	v19 =	vor.u32 v18, v19  }
0x147: {  	v23 =	vor.u32 v1, v22;
	_ =	sdelay $0x2  }
0x148: {  	v17 =	vshll.u32 v17, $0x7  }
0x149: {  	v17 =	vand.u32 $0xC00, v17;
	[tilespmem:v19+s21+$0x0] =	vst.idx.msk $0xffff, v21  }
0x14a: {  	v19 =	vor.u32 v2, v17;
	v21 =	vld.idx.msk [tilespmem:v23+s11+$0x0], $0xffff  }
0x14b: {  	v17 =	vor.u32 v20, v19  }
0x14c: {  	v20 =	vor.u32 v3, v22;
	_ =	sdelay $0x3  }
0x14d: {  	[tilespmem:v17+s21+$0x0] =	vst.idx.msk $0xffff, v21  }
0x14e: {  	v17 =	vld.idx.msk [tilespmem:v20+s11+$0x0], $0xffff  }
0x14f: {  	v20 =	vor.u32 v24, v19  }
0x150: {  	v21 =	vor.u32 v5, v22;
	_ =	sdelay $0x3  }
0x151: {  	[tilespmem:v20+s21+$0x0] =	vst.idx.msk $0xffff, v17  }
0x152: {  	v17 =	vld.idx.msk [tilespmem:v21+s11+$0x0], $0xffff  }
0x153: {  	v20 =	vor.u32 v25, v19  }
0x154: {  	v21 =	vor.u32 v7, v22;
	_ =	sdelay $0x3  }
0x155: {  	[tilespmem:v20+s21+$0x0] =	vst.idx.msk $0xffff, v17  }
0x156: {  	v17 =	vld.idx.msk [tilespmem:v21+s11+$0x0], $0xffff  }
0x157: {  	v20 =	vor.u32 v26, v19  }
0x158: {  	v21 =	vor.u32 v9, v22;
	_ =	sdelay $0x3  }
0x159: {  	[tilespmem:v20+s21+$0x0] =	vst.idx.msk $0xffff, v17  }
0x15a: {  	v17 =	vld.idx.msk [tilespmem:v21+s11+$0x0], $0xffff  }
0x15b: {  	v20 =	vor.u32 v27, v19  }
0x15c: {  	v21 =	vor.u32 v11, v22;
	_ =	sdelay $0x3  }
0x15d: {  	[tilespmem:v20+s21+$0x0] =	vst.idx.msk $0xffff, v17  }
0x15e: {  	v17 =	vld.idx.msk [tilespmem:v21+s11+$0x0], $0xffff  }
0x15f: {  	v20 =	vor.u32 v28, v19  }
0x160: {  	v21 =	vor.u32 v13, v22;
	_ =	sdelay $0x3  }
0x161: {  	[tilespmem:v20+s21+$0x0] =	vst.idx.msk $0xffff, v17  }
0x162: {  	v17 =	vld.idx.msk [tilespmem:v21+s11+$0x0], $0xffff  }
0x163: {  	v20 =	vor.u32 v29, v19  }
0x164: {  	v21 =	vor.u32 v15, v22  }
.Ltmp3:
0x165: {  	(pc) =	sbr.rel @p1 .LBB2_5-.Ltmp3, $3  }
0x166: {  	_ =	sdelay $0x1  }
0x167: {  	[tilespmem:v20+s21+$0x0] =	vst.idx.msk $0xffff, v17  }
0x168: {  	v17 =	vadd.s32 s1, v0;
	s1 =	sadd.s32 $0x1, s1;
	v20 =	vld.idx.msk [tilespmem:v21+s11+$0x0], $0xffff  }
0x169: {  	v21 =	vand.u32 $0xF, v17;
	v18 =	vor.u32 v18, v19  }
0x16a: {  	v19 =	vor.u32 v1, v21;
	_ =	sdelay $0x1  }
0x16b: {  	v22 =	vshll.u32 v17, $0x7  }
0x16c: {  	v23 =	vor.u32 v0, v22;
	v24 =	vand.u32 $0x400, v22  }
0x16d: {  	[tilespmem:v18+s21+$0x0] =	vst.idx.msk $0xffff, v20;
	v18 =	vand.u32 $0x388, v23;
	v20 =	vor.u32 v2, v24  }
0x16e: {  	v19 =	vld.idx.msk [tilespmem:v19+s11+$0x0], $0xffff;
	v23 =	vor.u32 v18, v20  }
0x16f: {  	v52 =	vor.u32 v3, v21;
	_ =	sdelay $0x2  }
0x170: {  	v25 =	vor.u32 v4, v22  }
0x171: {  	[tilespmem:v23+s21+$0x0] =	vst.idx.msk $0xffff, v19;
	v19 =	vand.u32 $0x398, v25  }
0x172: {  	v23 =	vld.idx.msk [tilespmem:v52+s11+$0x0], $0xffff;
	v53 =	vor.u32 v19, v20  }
0x173: {  	v54 =	vor.u32 v5, v21;
	_ =	sdelay $0x2  }
0x174: {  	v26 =	vor.u32 v6, v22  }
0x175: {  	[tilespmem:v53+s21+$0x0] =	vst.idx.msk $0xffff, v23;
	v23 =	vand.u32 $0x3A8, v26  }
0x176: {  	v24 =	vld.idx.msk [tilespmem:v54+s11+$0x0], $0xffff;
	v55 =	vor.u32 v23, v20  }
0x177: {  	v56 =	vor.u32 v7, v21;
	_ =	sdelay $0x2  }
0x178: {  	v27 =	vor.u32 v8, v22  }
0x179: {  	v57 =	vand.u32 $0x3B8, v27;
	[tilespmem:v55+s21+$0x0] =	vst.idx.msk $0xffff, v24  }
0x17a: {  	v58 =	vor.u32 v57, v20;
	v25 =	vld.idx.msk [tilespmem:v56+s11+$0x0], $0xffff  }
0x17b: {  	v59 =	vor.u32 v9, v21;
	_ =	sdelay $0x2  }
0x17c: {  	v28 =	vor.u32 v10, v22  }
0x17d: {  	v60 =	vand.u32 $0x3C8, v28;
	[tilespmem:v58+s21+$0x0] =	vst.idx.msk $0xffff, v25  }
0x17e: {  	v61 =	vor.u32 v60, v20;
	v26 =	vld.idx.msk [tilespmem:v59+s11+$0x0], $0xffff  }
0x17f: {  	v62 =	vor.u32 v11, v21;
	_ =	sdelay $0x2  }
0x180: {  	v29 =	vor.u32 v12, v22  }
0x181: {  	v63 =	vand.u32 $0x3D8, v29;
	[tilespmem:v61+s21+$0x0] =	vst.idx.msk $0xffff, v26  }
0x182: {  	v33 =	vor.u32 v63, v20;
	v27 =	vld.idx.msk [tilespmem:v62+s11+$0x0], $0xffff  }
0x183: {  	v34 =	vor.u32 v13, v21;
	_ =	sdelay $0x2  }
0x184: {  	v30 =	vor.u32 v14, v22  }
0x185: {  	v35 =	vand.u32 $0x3E8, v30;
	[tilespmem:v33+s21+$0x0] =	vst.idx.msk $0xffff, v27  }
0x186: {  	v36 =	vor.u32 v35, v20;
	v28 =	vld.idx.msk [tilespmem:v34+s11+$0x0], $0xffff  }
0x187: {  	v21 =	vor.u32 v15, v21;
	_ =	sdelay $0x2  }
0x188: {  	v22 =	vor.u32 v16, v22  }
0x189: {  	v17 =	vor.u32 $0x10, v17;
	v22 =	vand.u32 $0x3F8, v22;
	[tilespmem:v36+s21+$0x0] =	vst.idx.msk $0xffff, v28  }
0x18a: {  	v37 =	vand.u32 $0x1F, v17;
	v20 =	vor.u32 v22, v20;
	v21 =	vld.idx.msk [tilespmem:v21+s11+$0x0], $0xffff  }
0x18b: {  	v38 =	vor.u32 v1, v37;
	_ =	sdelay $0x1  }
0x18c: {  	v17 =	vshll.u32 v17, $0x7  }
0x18d: {  	v17 =	vand.u32 $0xC00, v17  }
0x18e: {  	v17 =	vor.u32 v2, v17;
	[tilespmem:v20+s21+$0x0] =	vst.idx.msk $0xffff, v21  }
0x18f: {  	v18 =	vor.u32 v18, v17;
	v20 =	vld.idx.msk [tilespmem:v38+s11+$0x0], $0xffff  }
0x190: {  	v21 =	vor.u32 v3, v37;
	_ =	sdelay $0x3  }
0x191: {  	[tilespmem:v18+s21+$0x0] =	vst.idx.msk $0xffff, v20  }
0x192: {  	v19 =	vor.u32 v19, v17;
	v18 =	vld.idx.msk [tilespmem:v21+s11+$0x0], $0xffff  }
0x193: {  	v20 =	vor.u32 v5, v37;
	_ =	sdelay $0x3  }
0x194: {  	[tilespmem:v19+s21+$0x0] =	vst.idx.msk $0xffff, v18  }
0x195: {  	v19 =	vor.u32 v23, v17;
	v18 =	vld.idx.msk [tilespmem:v20+s11+$0x0], $0xffff  }
0x196: {  	v20 =	vor.u32 v7, v37;
	_ =	sdelay $0x3  }
0x197: {  	[tilespmem:v19+s21+$0x0] =	vst.idx.msk $0xffff, v18  }
0x198: {  	v19 =	vor.u32 v57, v17;
	v18 =	vld.idx.msk [tilespmem:v20+s11+$0x0], $0xffff  }
0x199: {  	v20 =	vor.u32 v9, v37;
	_ =	sdelay $0x3  }
0x19a: {  	[tilespmem:v19+s21+$0x0] =	vst.idx.msk $0xffff, v18  }
0x19b: {  	v19 =	vor.u32 v60, v17;
	v18 =	vld.idx.msk [tilespmem:v20+s11+$0x0], $0xffff  }
0x19c: {  	v20 =	vor.u32 v11, v37;
	_ =	sdelay $0x3  }
0x19d: {  	[tilespmem:v19+s21+$0x0] =	vst.idx.msk $0xffff, v18  }
0x19e: {  	v19 =	vor.u32 v63, v17;
	v18 =	vld.idx.msk [tilespmem:v20+s11+$0x0], $0xffff  }
0x19f: {  	v20 =	vor.u32 v13, v37;
	_ =	sdelay $0x3  }
0x1a0: {  	[tilespmem:v19+s21+$0x0] =	vst.idx.msk $0xffff, v18  }
0x1a1: {  	v19 =	vor.u32 v35, v17;
	v18 =	vld.idx.msk [tilespmem:v20+s11+$0x0], $0xffff  }
0x1a2: {  	v20 =	vor.u32 v15, v37;
	_ =	sdelay $0x3  }
0x1a3: {  	[tilespmem:v19+s21+$0x0] =	vst.idx.msk $0xffff, v18  }
0x1a4: {  	v17 =	vor.u32 v22, v17;
	v18 =	vld.idx.msk [tilespmem:v20+s11+$0x0], $0xffff;
	_ =	sdelay $0x1  }
0x1a5: {  	s0 =	sshll.u32 s31, $0x7  }
0x1a6: {  	s1 =	sshll.u32 s31, $0x9;
	s0 =	sand.u32 $0x3E80, s0  }
0x1a7: {  	s1 =	sand.u32 $0xFFF0000, s1;
	s0 =	sadd.s32 s2, s0  }
0x1a8: {  	s12 =	simm.s32 @!p0 $0x7400;
	s0 =	sadd.s32 s1, s0;
	[tilespmem:v17+s21+$0x0] =	vst.idx.msk $0xffff, v18  }
0x1a9: {  	[hbm4b:s0+s18] =	stream.strided.scatter [tilespmem:s21], [sflag:$0x6], $0x1000, s19, s18, $0x38;
	[tilespmem:$0xC400] =	vst v63  }
0x1aa: {  	s31 =	simm.s32 $0x0;
	s1 =	simm.s32 @!p0 $0x80;
	s0 =	sadd.s32 @!p0 $0x280, s30  }
0x1ab: {  	v17 =	vadd.s32 s31, v0;
	[tilespmem:s12], [sflag:$0x2] =	stream.indirect.gather @!p0 [hbm4b:s4+s1], $0x20, s0, s1, $0xb8;
	[tilespmem:$0xC400] =	vst v63  }
0x1ac: {  	v18 =	vand.u32 $0xF, v17;
	_ =	swait.ge [sflag:s22], $0x1000  }
0x1ad: {  	v19 =	vor.u32 v1, v18;
	[sflag:s22] =	ssyncset.done $0x0  }
0x1ae: {  	[sflag:s22] =	ssyncadd.s32 $0xFFFFF000  }
0x1af: {  	v20 =	vshll.u32 v17, $0x7;
	_ =	swait.ge [sflag:s23], $0x1000  }
0x1b0: {  	v21 =	vor.u32 v0, v20;
	v22 =	vand.u32 $0x400, v20;
	[sflag:s23] =	ssyncset.done $0x0  }
0x1b1: {  	v21 =	vand.u32 $0x388, v21;
	v22 =	vor.u32 v2, v22;
	[sflag:s23] =	ssyncadd.s32 $0xFFFFF000  }
0x1b2: {  	v23 =	vor.u32 v21, v22;
	v19 =	vld.idx.msk [tilespmem:v19+s13+$0x0], $0xffff  }
0x1b3: {  	v39 =	vor.u32 v3, v18;
	_ =	sdelay $0x2  }
0x1b4: {  	v40 =	vor.u32 v4, v20  }
0x1b5: {  	[tilespmem:v23+s17+$0x0] =	vst.idx.msk $0xffff, v19;
	v23 =	vand.u32 $0x398, v40  }
0x1b6: {  	v19 =	vld.idx.msk [tilespmem:v39+s13+$0x0], $0xffff;
	v41 =	vor.u32 v23, v22  }
0x1b7: {  	v42 =	vor.u32 v5, v18;
	_ =	sdelay $0x2  }
0x1b8: {  	v43 =	vor.u32 v6, v20  }
0x1b9: {  	v44 =	vand.u32 $0x3A8, v43;
	[tilespmem:v41+s17+$0x0] =	vst.idx.msk $0xffff, v19  }
0x1ba: {  	v45 =	vor.u32 v44, v22;
	v19 =	vld.idx.msk [tilespmem:v42+s13+$0x0], $0xffff  }
0x1bb: {  	v46 =	vor.u32 v7, v18;
	_ =	sdelay $0x2  }
0x1bc: {  	v47 =	vor.u32 v8, v20  }
0x1bd: {  	v48 =	vand.u32 $0x3B8, v47;
	[tilespmem:v45+s17+$0x0] =	vst.idx.msk $0xffff, v19  }
0x1be: {  	v49 =	vor.u32 v48, v22;
	v19 =	vld.idx.msk [tilespmem:v46+s13+$0x0], $0xffff  }
0x1bf: {  	v50 =	vor.u32 v9, v18;
	_ =	sdelay $0x2  }
0x1c0: {  	v51 =	vor.u32 v10, v20  }
0x1c1: {  	v52 =	vand.u32 $0x3C8, v51;
	[tilespmem:v49+s17+$0x0] =	vst.idx.msk $0xffff, v19  }
0x1c2: {  	v53 =	vor.u32 v52, v22;
	v19 =	vld.idx.msk [tilespmem:v50+s13+$0x0], $0xffff  }
0x1c3: {  	v54 =	vor.u32 v11, v18;
	_ =	sdelay $0x2  }
0x1c4: {  	v55 =	vor.u32 v12, v20  }
0x1c5: {  	v56 =	vand.u32 $0x3D8, v55;
	[tilespmem:v53+s17+$0x0] =	vst.idx.msk $0xffff, v19  }
0x1c6: {  	v57 =	vor.u32 v56, v22;
	v19 =	vld.idx.msk [tilespmem:v54+s13+$0x0], $0xffff  }
0x1c7: {  	v58 =	vor.u32 v13, v18;
	_ =	sdelay $0x2  }
0x1c8: {  	v59 =	vor.u32 v14, v20  }
0x1c9: {  	v60 =	vand.u32 $0x3E8, v59;
	[tilespmem:v57+s17+$0x0] =	vst.idx.msk $0xffff, v19  }
0x1ca: {  	v61 =	vor.u32 v60, v22;
	v19 =	vld.idx.msk [tilespmem:v58+s13+$0x0], $0xffff  }
0x1cb: {  	v62 =	vor.u32 v15, v18;
	_ =	sdelay $0x2  }
0x1cc: {  	v18 =	vor.u32 v16, v20  }
0x1cd: {  	v17 =	vor.u32 $0x10, v17;
	v18 =	vand.u32 $0x3F8, v18;
	[tilespmem:v61+s17+$0x0] =	vst.idx.msk $0xffff, v19  }
0x1ce: {  	v20 =	vor.u32 v18, v22;
	v22 =	vand.u32 $0x1F, v17;
	v19 =	vld.idx.msk [tilespmem:v62+s13+$0x0], $0xffff  }
0x1cf: {  	v63 =	vor.u32 v1, v22;
	_ =	sdelay $0x1  }
0x1d0: {  	v17 =	vshll.u32 v17, $0x7  }
0x1d1: {  	v17 =	vand.u32 $0xC00, v17  }
0x1d2: {  	[tilespmem:v20+s17+$0x0] =	vst.idx.msk $0xffff, v19;
	v19 =	vor.u32 v2, v17  }
0x1d3: {  	v17 =	vld.idx.msk [tilespmem:v63+s13+$0x0], $0xffff;
	v20 =	vor.u32 v21, v19  }
0x1d4: {  	v21 =	vor.u32 v3, v22;
	_ =	sdelay $0x3  }
0x1d5: {  	[tilespmem:v20+s17+$0x0] =	vst.idx.msk $0xffff, v17  }
0x1d6: {  	v20 =	vor.u32 v23, v19;
	v17 =	vld.idx.msk [tilespmem:v21+s13+$0x0], $0xffff  }
0x1d7: {  	v21 =	vor.u32 v5, v22;
	_ =	sdelay $0x3  }
0x1d8: {  	[tilespmem:v20+s17+$0x0] =	vst.idx.msk $0xffff, v17  }
0x1d9: {  	v20 =	vor.u32 v44, v19;
	v17 =	vld.idx.msk [tilespmem:v21+s13+$0x0], $0xffff  }
0x1da: {  	v21 =	vor.u32 v7, v22;
	_ =	sdelay $0x3  }
0x1db: {  	[tilespmem:v20+s17+$0x0] =	vst.idx.msk $0xffff, v17  }
0x1dc: {  	v20 =	vor.u32 v48, v19;
	v17 =	vld.idx.msk [tilespmem:v21+s13+$0x0], $0xffff  }
0x1dd: {  	v21 =	vor.u32 v9, v22;
	_ =	sdelay $0x3  }
0x1de: {  	[tilespmem:v20+s17+$0x0] =	vst.idx.msk $0xffff, v17  }
0x1df: {  	v20 =	vor.u32 v52, v19;
	v17 =	vld.idx.msk [tilespmem:v21+s13+$0x0], $0xffff  }
0x1e0: {  	v21 =	vor.u32 v11, v22;
	_ =	sdelay $0x3  }
0x1e1: {  	[tilespmem:v20+s17+$0x0] =	vst.idx.msk $0xffff, v17  }
0x1e2: {  	v20 =	vor.u32 v56, v19;
	v17 =	vld.idx.msk [tilespmem:v21+s13+$0x0], $0xffff  }
0x1e3: {  	v21 =	vor.u32 v13, v22;
	_ =	sdelay $0x3  }
0x1e4: {  	[tilespmem:v20+s17+$0x0] =	vst.idx.msk $0xffff, v17  }
0x1e5: {  	v20 =	vor.u32 v60, v19;
	v17 =	vld.idx.msk [tilespmem:v21+s13+$0x0], $0xffff  }
0x1e6: {  	v21 =	vor.u32 v15, v22;
	_ =	sdelay $0x3  }
0x1e7: {  	s31 =	simm.s32 $0x1;
	[tilespmem:v20+s17+$0x0] =	vst.idx.msk $0xffff, v17  }
0x1e8: {  	s1 =	simm.s32 $0x2;
	v17 =	vadd.s32 s31, v0;
	v20 =	vld.idx.msk [tilespmem:v21+s13+$0x0], $0xffff  }
.LBB2_7:
0x1e9: {  	p1 =	sne.s32 s1, $0xF;
	v21 =	vand.u32 $0xF, v17;
	v18 =	vor.u32 v18, v19  }
0x1ea: {  	v19 =	vor.u32 v1, v21;
	_ =	sdelay $0x2  }
0x1eb: {  	v22 =	vshll.u32 v17, $0x7  }
0x1ec: {  	v23 =	vor.u32 v0, v22;
	v24 =	vand.u32 $0x400, v22;
	[tilespmem:v18+s17+$0x0] =	vst.idx.msk $0xffff, v20  }
0x1ed: {  	v20 =	vand.u32 $0x388, v23;
	v18 =	vld.idx.msk [tilespmem:v19+s13+$0x0], $0xffff;
	v19 =	vor.u32 v2, v24  }
0x1ee: {  	v23 =	vor.u32 v20, v19  }
0x1ef: {  	v24 =	vor.u32 v3, v21;
	_ =	sdelay $0x3  }
0x1f0: {  	[tilespmem:v23+s17+$0x0] =	vst.idx.msk $0xffff, v18;
	v18 =	vor.u32 v4, v22  }
0x1f1: {  	v23 =	vld.idx.msk [tilespmem:v24+s13+$0x0], $0xffff;
	v24 =	vand.u32 $0x398, v18  }
0x1f2: {  	v18 =	vor.u32 v24, v19  }
0x1f3: {  	v25 =	vor.u32 v5, v21;
	_ =	sdelay $0x3  }
0x1f4: {  	[tilespmem:v18+s17+$0x0] =	vst.idx.msk $0xffff, v23;
	v18 =	vor.u32 v6, v22  }
0x1f5: {  	v23 =	vld.idx.msk [tilespmem:v25+s13+$0x0], $0xffff;
	v25 =	vand.u32 $0x3A8, v18  }
0x1f6: {  	v18 =	vor.u32 v25, v19  }
0x1f7: {  	v26 =	vor.u32 v7, v21;
	_ =	sdelay $0x3  }
0x1f8: {  	[tilespmem:v18+s17+$0x0] =	vst.idx.msk $0xffff, v23;
	v18 =	vor.u32 v8, v22  }
0x1f9: {  	v23 =	vld.idx.msk [tilespmem:v26+s13+$0x0], $0xffff;
	v26 =	vand.u32 $0x3B8, v18  }
0x1fa: {  	v18 =	vor.u32 v26, v19  }
0x1fb: {  	v27 =	vor.u32 v9, v21;
	_ =	sdelay $0x3  }
0x1fc: {  	[tilespmem:v18+s17+$0x0] =	vst.idx.msk $0xffff, v23;
	v18 =	vor.u32 v10, v22  }
0x1fd: {  	v23 =	vld.idx.msk [tilespmem:v27+s13+$0x0], $0xffff;
	v27 =	vand.u32 $0x3C8, v18  }
0x1fe: {  	v18 =	vor.u32 v27, v19  }
0x1ff: {  	v28 =	vor.u32 v11, v21;
	_ =	sdelay $0x3  }
0x200: {  	[tilespmem:v18+s17+$0x0] =	vst.idx.msk $0xffff, v23;
	v18 =	vor.u32 v12, v22  }
0x201: {  	v23 =	vld.idx.msk [tilespmem:v28+s13+$0x0], $0xffff;
	v28 =	vand.u32 $0x3D8, v18  }
0x202: {  	v18 =	vor.u32 v28, v19  }
0x203: {  	v29 =	vor.u32 v13, v21;
	_ =	sdelay $0x3  }
0x204: {  	[tilespmem:v18+s17+$0x0] =	vst.idx.msk $0xffff, v23;
	v18 =	vor.u32 v14, v22  }
0x205: {  	v23 =	vld.idx.msk [tilespmem:v29+s13+$0x0], $0xffff;
	v29 =	vand.u32 $0x3E8, v18  }
0x206: {  	v18 =	vor.u32 v29, v19  }
0x207: {  	v21 =	vor.u32 v15, v21;
	_ =	sdelay $0x3  }
0x208: {  	[tilespmem:v18+s17+$0x0] =	vst.idx.msk $0xffff, v23;
	v18 =	vor.u32 v16, v22  }
0x209: {  	v17 =	vor.u32 $0x10, v17;
	v21 =	vld.idx.msk [tilespmem:v21+s13+$0x0], $0xffff;
	v18 =	vand.u32 $0x3F8, v18  }
0x20a: {  	v22 =	vand.u32 $0x1F, v17;
	v19 =	vor.u32 v18, v19  }
0x20b: {  	v23 =	vor.u32 v1, v22;
	_ =	sdelay $0x2  }
0x20c: {  	v17 =	vshll.u32 v17, $0x7  }
0x20d: {  	v17 =	vand.u32 $0xC00, v17;
	[tilespmem:v19+s17+$0x0] =	vst.idx.msk $0xffff, v21  }
0x20e: {  	v19 =	vor.u32 v2, v17;
	v21 =	vld.idx.msk [tilespmem:v23+s13+$0x0], $0xffff  }
0x20f: {  	v17 =	vor.u32 v20, v19  }
0x210: {  	v20 =	vor.u32 v3, v22;
	_ =	sdelay $0x3  }
0x211: {  	[tilespmem:v17+s17+$0x0] =	vst.idx.msk $0xffff, v21  }
0x212: {  	v17 =	vld.idx.msk [tilespmem:v20+s13+$0x0], $0xffff  }
0x213: {  	v20 =	vor.u32 v24, v19  }
0x214: {  	v21 =	vor.u32 v5, v22;
	_ =	sdelay $0x3  }
0x215: {  	[tilespmem:v20+s17+$0x0] =	vst.idx.msk $0xffff, v17  }
0x216: {  	v17 =	vld.idx.msk [tilespmem:v21+s13+$0x0], $0xffff  }
0x217: {  	v20 =	vor.u32 v25, v19  }
0x218: {  	v21 =	vor.u32 v7, v22;
	_ =	sdelay $0x3  }
0x219: {  	[tilespmem:v20+s17+$0x0] =	vst.idx.msk $0xffff, v17  }
0x21a: {  	v17 =	vld.idx.msk [tilespmem:v21+s13+$0x0], $0xffff  }
0x21b: {  	v20 =	vor.u32 v26, v19  }
0x21c: {  	v21 =	vor.u32 v9, v22;
	_ =	sdelay $0x3  }
0x21d: {  	[tilespmem:v20+s17+$0x0] =	vst.idx.msk $0xffff, v17  }
0x21e: {  	v17 =	vld.idx.msk [tilespmem:v21+s13+$0x0], $0xffff  }
0x21f: {  	v20 =	vor.u32 v27, v19  }
0x220: {  	v21 =	vor.u32 v11, v22;
	_ =	sdelay $0x3  }
0x221: {  	[tilespmem:v20+s17+$0x0] =	vst.idx.msk $0xffff, v17  }
0x222: {  	v17 =	vld.idx.msk [tilespmem:v21+s13+$0x0], $0xffff  }
0x223: {  	v20 =	vor.u32 v28, v19  }
0x224: {  	v21 =	vor.u32 v13, v22;
	_ =	sdelay $0x3  }
0x225: {  	[tilespmem:v20+s17+$0x0] =	vst.idx.msk $0xffff, v17  }
0x226: {  	v17 =	vld.idx.msk [tilespmem:v21+s13+$0x0], $0xffff  }
0x227: {  	v20 =	vor.u32 v29, v19  }
0x228: {  	v21 =	vor.u32 v15, v22  }
.Ltmp4:
0x229: {  	(pc) =	sbr.rel @p1 .LBB2_7-.Ltmp4, $3  }
0x22a: {  	_ =	sdelay $0x1  }
0x22b: {  	[tilespmem:v20+s17+$0x0] =	vst.idx.msk $0xffff, v17  }
0x22c: {  	v17 =	vadd.s32 s1, v0;
	s1 =	sadd.s32 $0x1, s1;
	v20 =	vld.idx.msk [tilespmem:v21+s13+$0x0], $0xffff  }
0x22d: {  	v21 =	vand.u32 $0xF, v17;
	v18 =	vor.u32 v18, v19  }
0x22e: {  	v19 =	vor.u32 v1, v21;
	_ =	sdelay $0x1  }
0x22f: {  	v22 =	vshll.u32 v17, $0x7  }
0x230: {  	v23 =	vor.u32 v0, v22;
	v24 =	vand.u32 $0x400, v22  }
0x231: {  	[tilespmem:v18+s17+$0x0] =	vst.idx.msk $0xffff, v20;
	v18 =	vand.u32 $0x388, v23;
	v20 =	vor.u32 v2, v24  }
0x232: {  	v19 =	vld.idx.msk [tilespmem:v19+s13+$0x0], $0xffff;
	v23 =	vor.u32 v18, v20  }
0x233: {  	v52 =	vor.u32 v3, v21;
	_ =	sdelay $0x2  }
0x234: {  	v25 =	vor.u32 v4, v22  }
0x235: {  	[tilespmem:v23+s17+$0x0] =	vst.idx.msk $0xffff, v19;
	v19 =	vand.u32 $0x398, v25  }
0x236: {  	v23 =	vld.idx.msk [tilespmem:v52+s13+$0x0], $0xffff;
	v53 =	vor.u32 v19, v20  }
0x237: {  	v54 =	vor.u32 v5, v21;
	_ =	sdelay $0x2  }
0x238: {  	v26 =	vor.u32 v6, v22  }
0x239: {  	[tilespmem:v53+s17+$0x0] =	vst.idx.msk $0xffff, v23;
	v23 =	vand.u32 $0x3A8, v26  }
0x23a: {  	v24 =	vld.idx.msk [tilespmem:v54+s13+$0x0], $0xffff;
	v55 =	vor.u32 v23, v20  }
0x23b: {  	v56 =	vor.u32 v7, v21;
	_ =	sdelay $0x2  }
0x23c: {  	v27 =	vor.u32 v8, v22  }
0x23d: {  	v57 =	vand.u32 $0x3B8, v27;
	[tilespmem:v55+s17+$0x0] =	vst.idx.msk $0xffff, v24  }
0x23e: {  	v58 =	vor.u32 v57, v20;
	v25 =	vld.idx.msk [tilespmem:v56+s13+$0x0], $0xffff  }
0x23f: {  	v59 =	vor.u32 v9, v21;
	_ =	sdelay $0x2  }
0x240: {  	v28 =	vor.u32 v10, v22  }
0x241: {  	v60 =	vand.u32 $0x3C8, v28;
	[tilespmem:v58+s17+$0x0] =	vst.idx.msk $0xffff, v25  }
0x242: {  	v61 =	vor.u32 v60, v20;
	v26 =	vld.idx.msk [tilespmem:v59+s13+$0x0], $0xffff  }
0x243: {  	v62 =	vor.u32 v11, v21;
	_ =	sdelay $0x2  }
0x244: {  	v29 =	vor.u32 v12, v22  }
0x245: {  	v63 =	vand.u32 $0x3D8, v29;
	[tilespmem:v61+s17+$0x0] =	vst.idx.msk $0xffff, v26  }
0x246: {  	v33 =	vor.u32 v63, v20;
	v27 =	vld.idx.msk [tilespmem:v62+s13+$0x0], $0xffff  }
0x247: {  	v34 =	vor.u32 v13, v21;
	_ =	sdelay $0x2  }
0x248: {  	v30 =	vor.u32 v14, v22  }
0x249: {  	v35 =	vand.u32 $0x3E8, v30;
	[tilespmem:v33+s17+$0x0] =	vst.idx.msk $0xffff, v27  }
0x24a: {  	v36 =	vor.u32 v35, v20;
	v28 =	vld.idx.msk [tilespmem:v34+s13+$0x0], $0xffff  }
0x24b: {  	v21 =	vor.u32 v15, v21;
	_ =	sdelay $0x2  }
0x24c: {  	v22 =	vor.u32 v16, v22  }
0x24d: {  	v17 =	vor.u32 $0x10, v17;
	v22 =	vand.u32 $0x3F8, v22;
	[tilespmem:v36+s17+$0x0] =	vst.idx.msk $0xffff, v28  }
0x24e: {  	v37 =	vand.u32 $0x1F, v17;
	v20 =	vor.u32 v22, v20;
	v21 =	vld.idx.msk [tilespmem:v21+s13+$0x0], $0xffff  }
0x24f: {  	v38 =	vor.u32 v1, v37;
	_ =	sdelay $0x1  }
0x250: {  	v17 =	vshll.u32 v17, $0x7  }
0x251: {  	v17 =	vand.u32 $0xC00, v17  }
0x252: {  	v17 =	vor.u32 v2, v17;
	[tilespmem:v20+s17+$0x0] =	vst.idx.msk $0xffff, v21  }
0x253: {  	v18 =	vor.u32 v18, v17;
	v20 =	vld.idx.msk [tilespmem:v38+s13+$0x0], $0xffff  }
0x254: {  	v21 =	vor.u32 v3, v37;
	_ =	sdelay $0x3  }
0x255: {  	[tilespmem:v18+s17+$0x0] =	vst.idx.msk $0xffff, v20  }
0x256: {  	v19 =	vor.u32 v19, v17;
	v18 =	vld.idx.msk [tilespmem:v21+s13+$0x0], $0xffff  }
0x257: {  	v20 =	vor.u32 v5, v37;
	_ =	sdelay $0x3  }
0x258: {  	[tilespmem:v19+s17+$0x0] =	vst.idx.msk $0xffff, v18  }
0x259: {  	v19 =	vor.u32 v23, v17;
	v18 =	vld.idx.msk [tilespmem:v20+s13+$0x0], $0xffff  }
0x25a: {  	v20 =	vor.u32 v7, v37;
	_ =	sdelay $0x3  }
0x25b: {  	[tilespmem:v19+s17+$0x0] =	vst.idx.msk $0xffff, v18  }
0x25c: {  	v19 =	vor.u32 v57, v17;
	v18 =	vld.idx.msk [tilespmem:v20+s13+$0x0], $0xffff  }
0x25d: {  	v20 =	vor.u32 v9, v37;
	_ =	sdelay $0x3  }
0x25e: {  	[tilespmem:v19+s17+$0x0] =	vst.idx.msk $0xffff, v18  }
0x25f: {  	v19 =	vor.u32 v60, v17;
	v18 =	vld.idx.msk [tilespmem:v20+s13+$0x0], $0xffff  }
0x260: {  	v20 =	vor.u32 v11, v37;
	_ =	sdelay $0x3  }
0x261: {  	[tilespmem:v19+s17+$0x0] =	vst.idx.msk $0xffff, v18  }
0x262: {  	v19 =	vor.u32 v63, v17;
	v18 =	vld.idx.msk [tilespmem:v20+s13+$0x0], $0xffff  }
0x263: {  	v20 =	vor.u32 v13, v37;
	_ =	sdelay $0x3  }
0x264: {  	[tilespmem:v19+s17+$0x0] =	vst.idx.msk $0xffff, v18  }
0x265: {  	v19 =	vor.u32 v35, v17;
	v18 =	vld.idx.msk [tilespmem:v20+s13+$0x0], $0xffff  }
0x266: {  	v20 =	vor.u32 v15, v37;
	_ =	sdelay $0x3  }
0x267: {  	[tilespmem:v19+s17+$0x0] =	vst.idx.msk $0xffff, v18  }
0x268: {  	v17 =	vor.u32 v22, v17;
	v18 =	vld.idx.msk [tilespmem:v20+s13+$0x0], $0xffff  }
0x269: {  	s0 =	sadd.s32 $0x2, s29  }
0x26a: {  	s1 =	sshll.u32 s0, $0x7  }
0x26b: {  	s0 =	sshll.u32 s0, $0x9;
	s1 =	sand.u32 $0x3F00, s1  }
0x26c: {  	s0 =	sand.u32 $0xFFF0000, s0;
	s1 =	sadd.s32 s2, s1  }
0x26d: {  	s12 =	simm.s32 @!p0 $0x8400;
	s0 =	sadd.s32 s0, s1;
	[tilespmem:v17+s17+$0x0] =	vst.idx.msk $0xffff, v18  }
0x26e: {  	[hbm4b:s0+s18] =	stream.strided.scatter [tilespmem:s17], [sflag:$0x5], $0x1000, s19, s18, $0x38;
	[tilespmem:$0xC400] =	vst v63  }
0x26f: {  	s31 =	simm.s32 $0x0;
	s1 =	simm.s32 @!p0 $0x80;
	s0 =	sadd.s32 @!p0 $0x300, s30  }
0x270: {  	v17 =	vadd.s32 s31, v0;
	[tilespmem:s12], [sflag:$0x3] =	stream.indirect.gather @!p0 [hbm4b:s4+s1], $0x20, s0, s1, $0xb8;
	[tilespmem:$0xC400] =	vst v63  }
0x271: {  	v18 =	vand.u32 $0xF, v17;
	_ =	swait.ge [sflag:s24], $0x1000  }
0x272: {  	v19 =	vor.u32 v1, v18;
	[sflag:s24] =	ssyncset.done $0x0  }
0x273: {  	[sflag:s24] =	ssyncadd.s32 $0xFFFFF000  }
0x274: {  	v20 =	vshll.u32 v17, $0x7;
	_ =	swait.ge [sflag:s25], $0x1000  }
0x275: {  	v21 =	vor.u32 v0, v20;
	v22 =	vand.u32 $0x400, v20;
	[sflag:s25] =	ssyncset.done $0x0  }
0x276: {  	v21 =	vand.u32 $0x388, v21;
	v22 =	vor.u32 v2, v22;
	[sflag:s25] =	ssyncadd.s32 $0xFFFFF000  }
0x277: {  	v23 =	vor.u32 v21, v22;
	v19 =	vld.idx.msk [tilespmem:v19+s15+$0x0], $0xffff  }
0x278: {  	v39 =	vor.u32 v3, v18;
	_ =	sdelay $0x2  }
0x279: {  	v40 =	vor.u32 v4, v20  }
0x27a: {  	[tilespmem:v23+s21+$0x0] =	vst.idx.msk $0xffff, v19;
	v23 =	vand.u32 $0x398, v40  }
0x27b: {  	v19 =	vld.idx.msk [tilespmem:v39+s15+$0x0], $0xffff;
	v41 =	vor.u32 v23, v22  }
0x27c: {  	v42 =	vor.u32 v5, v18;
	_ =	sdelay $0x2  }
0x27d: {  	v43 =	vor.u32 v6, v20  }
0x27e: {  	v44 =	vand.u32 $0x3A8, v43;
	[tilespmem:v41+s21+$0x0] =	vst.idx.msk $0xffff, v19  }
0x27f: {  	v45 =	vor.u32 v44, v22;
	v19 =	vld.idx.msk [tilespmem:v42+s15+$0x0], $0xffff  }
0x280: {  	v46 =	vor.u32 v7, v18;
	_ =	sdelay $0x2  }
0x281: {  	v47 =	vor.u32 v8, v20  }
0x282: {  	v48 =	vand.u32 $0x3B8, v47;
	[tilespmem:v45+s21+$0x0] =	vst.idx.msk $0xffff, v19  }
0x283: {  	v49 =	vor.u32 v48, v22;
	v19 =	vld.idx.msk [tilespmem:v46+s15+$0x0], $0xffff  }
0x284: {  	v50 =	vor.u32 v9, v18;
	_ =	sdelay $0x2  }
0x285: {  	v51 =	vor.u32 v10, v20  }
0x286: {  	v52 =	vand.u32 $0x3C8, v51;
	[tilespmem:v49+s21+$0x0] =	vst.idx.msk $0xffff, v19  }
0x287: {  	v53 =	vor.u32 v52, v22;
	v19 =	vld.idx.msk [tilespmem:v50+s15+$0x0], $0xffff  }
0x288: {  	v54 =	vor.u32 v11, v18;
	_ =	sdelay $0x2  }
0x289: {  	v55 =	vor.u32 v12, v20  }
0x28a: {  	v56 =	vand.u32 $0x3D8, v55;
	[tilespmem:v53+s21+$0x0] =	vst.idx.msk $0xffff, v19  }
0x28b: {  	v57 =	vor.u32 v56, v22;
	v19 =	vld.idx.msk [tilespmem:v54+s15+$0x0], $0xffff  }
0x28c: {  	v58 =	vor.u32 v13, v18;
	_ =	sdelay $0x2  }
0x28d: {  	v59 =	vor.u32 v14, v20  }
0x28e: {  	v60 =	vand.u32 $0x3E8, v59;
	[tilespmem:v57+s21+$0x0] =	vst.idx.msk $0xffff, v19  }
0x28f: {  	v61 =	vor.u32 v60, v22;
	v19 =	vld.idx.msk [tilespmem:v58+s15+$0x0], $0xffff  }
0x290: {  	v62 =	vor.u32 v15, v18;
	_ =	sdelay $0x2  }
0x291: {  	v18 =	vor.u32 v16, v20  }
0x292: {  	v17 =	vor.u32 $0x10, v17;
	v18 =	vand.u32 $0x3F8, v18;
	[tilespmem:v61+s21+$0x0] =	vst.idx.msk $0xffff, v19  }
0x293: {  	v20 =	vor.u32 v18, v22;
	v22 =	vand.u32 $0x1F, v17;
	v19 =	vld.idx.msk [tilespmem:v62+s15+$0x0], $0xffff  }
0x294: {  	v63 =	vor.u32 v1, v22;
	_ =	sdelay $0x1  }
0x295: {  	v17 =	vshll.u32 v17, $0x7  }
0x296: {  	v17 =	vand.u32 $0xC00, v17  }
0x297: {  	[tilespmem:v20+s21+$0x0] =	vst.idx.msk $0xffff, v19;
	v19 =	vor.u32 v2, v17  }
0x298: {  	v17 =	vld.idx.msk [tilespmem:v63+s15+$0x0], $0xffff;
	v20 =	vor.u32 v21, v19  }
0x299: {  	v21 =	vor.u32 v3, v22;
	_ =	sdelay $0x3  }
0x29a: {  	[tilespmem:v20+s21+$0x0] =	vst.idx.msk $0xffff, v17  }
0x29b: {  	v20 =	vor.u32 v23, v19;
	v17 =	vld.idx.msk [tilespmem:v21+s15+$0x0], $0xffff  }
0x29c: {  	v21 =	vor.u32 v5, v22;
	_ =	sdelay $0x3  }
0x29d: {  	[tilespmem:v20+s21+$0x0] =	vst.idx.msk $0xffff, v17  }
0x29e: {  	v20 =	vor.u32 v44, v19;
	v17 =	vld.idx.msk [tilespmem:v21+s15+$0x0], $0xffff  }
0x29f: {  	v21 =	vor.u32 v7, v22;
	_ =	sdelay $0x3  }
0x2a0: {  	[tilespmem:v20+s21+$0x0] =	vst.idx.msk $0xffff, v17  }
0x2a1: {  	v20 =	vor.u32 v48, v19;
	v17 =	vld.idx.msk [tilespmem:v21+s15+$0x0], $0xffff  }
0x2a2: {  	v21 =	vor.u32 v9, v22;
	_ =	sdelay $0x3  }
0x2a3: {  	[tilespmem:v20+s21+$0x0] =	vst.idx.msk $0xffff, v17  }
0x2a4: {  	v20 =	vor.u32 v52, v19;
	v17 =	vld.idx.msk [tilespmem:v21+s15+$0x0], $0xffff  }
0x2a5: {  	v21 =	vor.u32 v11, v22;
	_ =	sdelay $0x3  }
0x2a6: {  	[tilespmem:v20+s21+$0x0] =	vst.idx.msk $0xffff, v17  }
0x2a7: {  	v20 =	vor.u32 v56, v19;
	v17 =	vld.idx.msk [tilespmem:v21+s15+$0x0], $0xffff  }
0x2a8: {  	v21 =	vor.u32 v13, v22;
	_ =	sdelay $0x3  }
0x2a9: {  	[tilespmem:v20+s21+$0x0] =	vst.idx.msk $0xffff, v17  }
0x2aa: {  	v20 =	vor.u32 v60, v19;
	v17 =	vld.idx.msk [tilespmem:v21+s15+$0x0], $0xffff  }
0x2ab: {  	v21 =	vor.u32 v15, v22;
	_ =	sdelay $0x3  }
0x2ac: {  	s31 =	simm.s32 $0x1;
	[tilespmem:v20+s21+$0x0] =	vst.idx.msk $0xffff, v17  }
0x2ad: {  	s1 =	simm.s32 $0x2;
	v17 =	vadd.s32 s31, v0;
	v20 =	vld.idx.msk [tilespmem:v21+s15+$0x0], $0xffff  }
.LBB2_9:
0x2ae: {  	p1 =	sne.s32 s1, $0xF;
	v21 =	vand.u32 $0xF, v17;
	v18 =	vor.u32 v18, v19  }
0x2af: {  	v19 =	vor.u32 v1, v21;
	_ =	sdelay $0x2  }
0x2b0: {  	v22 =	vshll.u32 v17, $0x7  }
0x2b1: {  	v23 =	vor.u32 v0, v22;
	v24 =	vand.u32 $0x400, v22;
	[tilespmem:v18+s21+$0x0] =	vst.idx.msk $0xffff, v20  }
0x2b2: {  	v20 =	vand.u32 $0x388, v23;
	v18 =	vld.idx.msk [tilespmem:v19+s15+$0x0], $0xffff;
	v19 =	vor.u32 v2, v24  }
0x2b3: {  	v23 =	vor.u32 v20, v19  }
0x2b4: {  	v24 =	vor.u32 v3, v21;
	_ =	sdelay $0x3  }
0x2b5: {  	[tilespmem:v23+s21+$0x0] =	vst.idx.msk $0xffff, v18;
	v18 =	vor.u32 v4, v22  }
0x2b6: {  	v23 =	vld.idx.msk [tilespmem:v24+s15+$0x0], $0xffff;
	v24 =	vand.u32 $0x398, v18  }
0x2b7: {  	v18 =	vor.u32 v24, v19  }
0x2b8: {  	v25 =	vor.u32 v5, v21;
	_ =	sdelay $0x3  }
0x2b9: {  	[tilespmem:v18+s21+$0x0] =	vst.idx.msk $0xffff, v23;
	v18 =	vor.u32 v6, v22  }
0x2ba: {  	v23 =	vld.idx.msk [tilespmem:v25+s15+$0x0], $0xffff;
	v25 =	vand.u32 $0x3A8, v18  }
0x2bb: {  	v18 =	vor.u32 v25, v19  }
0x2bc: {  	v26 =	vor.u32 v7, v21;
	_ =	sdelay $0x3  }
0x2bd: {  	[tilespmem:v18+s21+$0x0] =	vst.idx.msk $0xffff, v23;
	v18 =	vor.u32 v8, v22  }
0x2be: {  	v23 =	vld.idx.msk [tilespmem:v26+s15+$0x0], $0xffff;
	v26 =	vand.u32 $0x3B8, v18  }
0x2bf: {  	v18 =	vor.u32 v26, v19  }
0x2c0: {  	v27 =	vor.u32 v9, v21;
	_ =	sdelay $0x3  }
0x2c1: {  	[tilespmem:v18+s21+$0x0] =	vst.idx.msk $0xffff, v23;
	v18 =	vor.u32 v10, v22  }
0x2c2: {  	v23 =	vld.idx.msk [tilespmem:v27+s15+$0x0], $0xffff;
	v27 =	vand.u32 $0x3C8, v18  }
0x2c3: {  	v18 =	vor.u32 v27, v19  }
0x2c4: {  	v28 =	vor.u32 v11, v21;
	_ =	sdelay $0x3  }
0x2c5: {  	[tilespmem:v18+s21+$0x0] =	vst.idx.msk $0xffff, v23;
	v18 =	vor.u32 v12, v22  }
0x2c6: {  	v23 =	vld.idx.msk [tilespmem:v28+s15+$0x0], $0xffff;
	v28 =	vand.u32 $0x3D8, v18  }
0x2c7: {  	v18 =	vor.u32 v28, v19  }
0x2c8: {  	v29 =	vor.u32 v13, v21;
	_ =	sdelay $0x3  }
0x2c9: {  	[tilespmem:v18+s21+$0x0] =	vst.idx.msk $0xffff, v23;
	v18 =	vor.u32 v14, v22  }
0x2ca: {  	v23 =	vld.idx.msk [tilespmem:v29+s15+$0x0], $0xffff;
	v29 =	vand.u32 $0x3E8, v18  }
0x2cb: {  	v18 =	vor.u32 v29, v19  }
0x2cc: {  	v21 =	vor.u32 v15, v21;
	_ =	sdelay $0x3  }
0x2cd: {  	[tilespmem:v18+s21+$0x0] =	vst.idx.msk $0xffff, v23;
	v18 =	vor.u32 v16, v22  }
0x2ce: {  	v17 =	vor.u32 $0x10, v17;
	v21 =	vld.idx.msk [tilespmem:v21+s15+$0x0], $0xffff;
	v18 =	vand.u32 $0x3F8, v18  }
0x2cf: {  	v22 =	vand.u32 $0x1F, v17;
	v19 =	vor.u32 v18, v19  }
0x2d0: {  	v23 =	vor.u32 v1, v22;
	_ =	sdelay $0x2  }
0x2d1: {  	v17 =	vshll.u32 v17, $0x7  }
0x2d2: {  	v17 =	vand.u32 $0xC00, v17;
	[tilespmem:v19+s21+$0x0] =	vst.idx.msk $0xffff, v21  }
0x2d3: {  	v19 =	vor.u32 v2, v17;
	v21 =	vld.idx.msk [tilespmem:v23+s15+$0x0], $0xffff  }
0x2d4: {  	v17 =	vor.u32 v20, v19  }
0x2d5: {  	v20 =	vor.u32 v3, v22;
	_ =	sdelay $0x3  }
0x2d6: {  	[tilespmem:v17+s21+$0x0] =	vst.idx.msk $0xffff, v21  }
0x2d7: {  	v17 =	vld.idx.msk [tilespmem:v20+s15+$0x0], $0xffff  }
0x2d8: {  	v20 =	vor.u32 v24, v19  }
0x2d9: {  	v21 =	vor.u32 v5, v22;
	_ =	sdelay $0x3  }
0x2da: {  	[tilespmem:v20+s21+$0x0] =	vst.idx.msk $0xffff, v17  }
0x2db: {  	v17 =	vld.idx.msk [tilespmem:v21+s15+$0x0], $0xffff  }
0x2dc: {  	v20 =	vor.u32 v25, v19  }
0x2dd: {  	v21 =	vor.u32 v7, v22;
	_ =	sdelay $0x3  }
0x2de: {  	[tilespmem:v20+s21+$0x0] =	vst.idx.msk $0xffff, v17  }
0x2df: {  	v17 =	vld.idx.msk [tilespmem:v21+s15+$0x0], $0xffff  }
0x2e0: {  	v20 =	vor.u32 v26, v19  }
0x2e1: {  	v21 =	vor.u32 v9, v22;
	_ =	sdelay $0x3  }
0x2e2: {  	[tilespmem:v20+s21+$0x0] =	vst.idx.msk $0xffff, v17  }
0x2e3: {  	v17 =	vld.idx.msk [tilespmem:v21+s15+$0x0], $0xffff  }
0x2e4: {  	v20 =	vor.u32 v27, v19  }
0x2e5: {  	v21 =	vor.u32 v11, v22;
	_ =	sdelay $0x3  }
0x2e6: {  	[tilespmem:v20+s21+$0x0] =	vst.idx.msk $0xffff, v17  }
0x2e7: {  	v17 =	vld.idx.msk [tilespmem:v21+s15+$0x0], $0xffff  }
0x2e8: {  	v20 =	vor.u32 v28, v19  }
0x2e9: {  	v21 =	vor.u32 v13, v22;
	_ =	sdelay $0x3  }
0x2ea: {  	[tilespmem:v20+s21+$0x0] =	vst.idx.msk $0xffff, v17  }
0x2eb: {  	v17 =	vld.idx.msk [tilespmem:v21+s15+$0x0], $0xffff  }
0x2ec: {  	v20 =	vor.u32 v29, v19  }
0x2ed: {  	v21 =	vor.u32 v15, v22  }
.Ltmp5:
0x2ee: {  	(pc) =	sbr.rel @p1 .LBB2_9-.Ltmp5, $3  }
0x2ef: {  	_ =	sdelay $0x1  }
0x2f0: {  	[tilespmem:v20+s21+$0x0] =	vst.idx.msk $0xffff, v17  }
0x2f1: {  	v17 =	vadd.s32 s1, v0;
	s1 =	sadd.s32 $0x1, s1;
	v20 =	vld.idx.msk [tilespmem:v21+s15+$0x0], $0xffff  }
0x2f2: {  	v21 =	vand.u32 $0xF, v17;
	v18 =	vor.u32 v18, v19  }
0x2f3: {  	v19 =	vor.u32 v1, v21;
	_ =	sdelay $0x1  }
0x2f4: {  	v22 =	vshll.u32 v17, $0x7  }
0x2f5: {  	v23 =	vor.u32 v0, v22;
	v24 =	vand.u32 $0x400, v22  }
0x2f6: {  	v37 =	vor.u32 v2, v24;
	[tilespmem:v18+s21+$0x0] =	vst.idx.msk $0xffff, v20;
	v18 =	vand.u32 $0x388, v23  }
0x2f7: {  	v19 =	vld.idx.msk [tilespmem:v19+s15+$0x0], $0xffff;
	v23 =	vor.u32 v18, v37  }
0x2f8: {  	v38 =	vor.u32 v3, v21;
	_ =	sdelay $0x2  }
0x2f9: {  	v25 =	vor.u32 v4, v22  }
0x2fa: {  	[tilespmem:v23+s21+$0x0] =	vst.idx.msk $0xffff, v19;
	v19 =	vand.u32 $0x398, v25  }
0x2fb: {  	v23 =	vld.idx.msk [tilespmem:v38+s15+$0x0], $0xffff;
	v39 =	vor.u32 v19, v37  }
0x2fc: {  	v40 =	vor.u32 v5, v21;
	_ =	sdelay $0x2  }
0x2fd: {  	v26 =	vor.u32 v6, v22  }
0x2fe: {  	v41 =	vand.u32 $0x3A8, v26;
	[tilespmem:v39+s21+$0x0] =	vst.idx.msk $0xffff, v23  }
0x2ff: {  	v42 =	vor.u32 v41, v37;
	v24 =	vld.idx.msk [tilespmem:v40+s15+$0x0], $0xffff  }
0x300: {  	v43 =	vor.u32 v7, v21;
	_ =	sdelay $0x2  }
0x301: {  	v27 =	vor.u32 v8, v22  }
0x302: {  	v44 =	vand.u32 $0x3B8, v27;
	[tilespmem:v42+s21+$0x0] =	vst.idx.msk $0xffff, v24  }
0x303: {  	v45 =	vor.u32 v44, v37;
	v25 =	vld.idx.msk [tilespmem:v43+s15+$0x0], $0xffff  }
0x304: {  	v46 =	vor.u32 v9, v21;
	_ =	sdelay $0x2  }
0x305: {  	v28 =	vor.u32 v10, v22  }
0x306: {  	v47 =	vand.u32 $0x3C8, v28;
	[tilespmem:v45+s21+$0x0] =	vst.idx.msk $0xffff, v25  }
0x307: {  	v48 =	vor.u32 v47, v37;
	v26 =	vld.idx.msk [tilespmem:v46+s15+$0x0], $0xffff  }
0x308: {  	v49 =	vor.u32 v11, v21;
	_ =	sdelay $0x2  }
0x309: {  	v29 =	vor.u32 v12, v22  }
0x30a: {  	v50 =	vand.u32 $0x3D8, v29;
	[tilespmem:v48+s21+$0x0] =	vst.idx.msk $0xffff, v26  }
0x30b: {  	v51 =	vor.u32 v50, v37;
	v27 =	vld.idx.msk [tilespmem:v49+s15+$0x0], $0xffff  }
0x30c: {  	v52 =	vor.u32 v13, v21;
	_ =	sdelay $0x2  }
0x30d: {  	v30 =	vor.u32 v14, v22  }
0x30e: {  	v53 =	vand.u32 $0x3E8, v30;
	[tilespmem:v51+s21+$0x0] =	vst.idx.msk $0xffff, v27  }
0x30f: {  	v54 =	vor.u32 v53, v37;
	v28 =	vld.idx.msk [tilespmem:v52+s15+$0x0], $0xffff  }
0x310: {  	v21 =	vor.u32 v15, v21;
	_ =	sdelay $0x2  }
0x311: {  	v22 =	vor.u32 v16, v22  }
0x312: {  	v17 =	vor.u32 $0x10, v17;
	v22 =	vand.u32 $0x3F8, v22;
	[tilespmem:v54+s21+$0x0] =	vst.idx.msk $0xffff, v28  }
0x313: {  	v55 =	vand.u32 $0x1F, v17;
	v20 =	vor.u32 v22, v37;
	v21 =	vld.idx.msk [tilespmem:v21+s15+$0x0], $0xffff  }
0x314: {  	v56 =	vor.u32 v1, v55;
	_ =	sdelay $0x1  }
0x315: {  	v17 =	vshll.u32 v17, $0x7  }
0x316: {  	v17 =	vand.u32 $0xC00, v17  }
0x317: {  	v17 =	vor.u32 v2, v17;
	[tilespmem:v20+s21+$0x0] =	vst.idx.msk $0xffff, v21  }
0x318: {  	v18 =	vor.u32 v18, v17;
	v20 =	vld.idx.msk [tilespmem:v56+s15+$0x0], $0xffff  }
0x319: {  	v57 =	vor.u32 v3, v55;
	_ =	sdelay $0x3  }
0x31a: {  	[tilespmem:v18+s21+$0x0] =	vst.idx.msk $0xffff, v20  }
0x31b: {  	v19 =	vor.u32 v19, v17;
	v18 =	vld.idx.msk [tilespmem:v57+s15+$0x0], $0xffff  }
0x31c: {  	v58 =	vor.u32 v5, v55;
	_ =	sdelay $0x3  }
0x31d: {  	[tilespmem:v19+s21+$0x0] =	vst.idx.msk $0xffff, v18  }
0x31e: {  	v19 =	vor.u32 v41, v17;
	v18 =	vld.idx.msk [tilespmem:v58+s15+$0x0], $0xffff  }
0x31f: {  	v59 =	vor.u32 v7, v55;
	_ =	sdelay $0x3  }
0x320: {  	[tilespmem:v19+s21+$0x0] =	vst.idx.msk $0xffff, v18  }
0x321: {  	v19 =	vor.u32 v44, v17;
	v18 =	vld.idx.msk [tilespmem:v59+s15+$0x0], $0xffff  }
0x322: {  	v60 =	vor.u32 v9, v55;
	_ =	sdelay $0x3  }
0x323: {  	[tilespmem:v19+s21+$0x0] =	vst.idx.msk $0xffff, v18  }
0x324: {  	v19 =	vor.u32 v47, v17;
	v18 =	vld.idx.msk [tilespmem:v60+s15+$0x0], $0xffff  }
0x325: {  	v61 =	vor.u32 v11, v55;
	_ =	sdelay $0x3  }
0x326: {  	[tilespmem:v19+s21+$0x0] =	vst.idx.msk $0xffff, v18  }
0x327: {  	v19 =	vor.u32 v50, v17;
	v18 =	vld.idx.msk [tilespmem:v61+s15+$0x0], $0xffff  }
0x328: {  	v62 =	vor.u32 v13, v55;
	_ =	sdelay $0x3  }
0x329: {  	[tilespmem:v19+s21+$0x0] =	vst.idx.msk $0xffff, v18  }
0x32a: {  	v19 =	vor.u32 v53, v17;
	v18 =	vld.idx.msk [tilespmem:v62+s15+$0x0], $0xffff  }
0x32b: {  	v63 =	vor.u32 v15, v55;
	_ =	sdelay $0x3  }
0x32c: {  	[tilespmem:v19+s21+$0x0] =	vst.idx.msk $0xffff, v18  }
0x32d: {  	v17 =	vor.u32 v22, v17;
	v18 =	vld.idx.msk [tilespmem:v63+s15+$0x0], $0xffff  }
0x32e: {  	s0 =	sadd.s32 $0x3, s29  }
.Ltmp6:
0x32f: {  	s1 =	sshll.u32 s0, $0x7;
	(pc) =	sbr.rel @p0 .LBB2_12-.Ltmp6, $4  }
0x330: {  	s0 =	sshll.u32 s0, $0x9;
	s1 =	sand.u32 $0x3F80, s1  }
0x331: {  	s0 =	sand.u32 $0xFFF0000, s0;
	s1 =	sadd.s32 s2, s1  }
0x332: {  	s0 =	sadd.s32 s0, s1;
	[tilespmem:v17+s21+$0x0] =	vst.idx.msk $0xffff, v18  }
0x333: {  	[hbm4b:s0+s18] =	stream.strided.scatter [tilespmem:s21], [sflag:$0x6], $0x1000, s19, s18, $0x38;
	[tilespmem:$0xC400] =	vst v63  }
.Ltmp7:
0x334: {  	(pc) =	sbr.rel .LBB2_2-.Ltmp7, $4  }
0x335: {  	s0 =	sshll.u32 s28, $0x9  }
0x336: {  	s0 =	sand.u32 $0x3FFFFE00, s0  }
0x337: {  	s28 =	sadd.s32 $0x1, s28;
	s0 =	sadd.s32 $0x380, s0  }
0x338: {  	[tilespmem:s15], [sflag:$0x4] =	stream.indirect.gather [hbm4b:s4+s9], $0x20, s0, s9, $0xb8;
	[tilespmem:$0xC400] =	vst v63  }
.LBB2_13:
0x339: {  	_ =	sfence.sel $0x180000  }
0x33a: {  	[bflag:$0x0] =	sbarrier.arrive $0xFFFF  }
0x33b: {  	_ =	strace $0x90000047  }
0x33c: {  	s0 =	stileid.u32;
	[bflag:$0x2] =	sbarrier.arrive $0xFFFF  }
0x33d: {  	p0 =	sne.s32 s0, $0x0;
	s0 =	rddreg [dreg:$0x2]  }
0x33e: {  	s0 =	sadd.s32 @!p0 $0x100000, s0  }
0x33f: {  	[sflag:s0] =	ssyncadd.tile.s32 @!p0 $0x1;
	_ =	shalt  }
.Lfunc_end2:
_tile_overlayer_lowered:
.L_overlay_start_2:
0x340: {  	(tag) =	ssettag $0x2  }
0x341: {  	s0 =	rddreg [dreg:$0x0];
	s2 =	stileid.u32  }
0x342: {  	s1 =	rddreg [dreg:$0x1];
	p0 =	sne.s32 s2, $0x0  }
0x343: {  	s3 =	rddreg [dreg:$0x2];
	[bflag:$0x3] =	sbarrier.arrive $0xFFFF;
	s2 =	simm.s32 @!p0 $0x1C07  }
0x344: {  	[timem:s3], [sflag:s2] =	dma.local @!p0 [hbm:s0], s1  }
0x345: {  	s0 =	simm.s32 @!p0 $0x7  }
0x346: {  	_ =	swait.ge @!p0 [sflag:s0], s1  }
0x347: {  	s1 =	ssub.s32 @!p0 $0x0, s1;
	[sflag:s0] =	ssyncset.done @!p0 $0x0  }
0x348: {  	[sflag:s0] =	ssyncadd.s32 @!p0 s1  }
0x349: {  	[bflag:$0x3] =	sbarrier.arrive $0xFFFF  }
0x34a: {  	_ =	shalt  }

</sc_bundles>
